<compile_context>
chip_gen: v7x
topology: tpu7x:2x2x1
jax: 0.10.2.dev20260603
libtpu: 0.0.44.dev20260713+nightly
codegen_flags: <defaults>
</compile_context>

<pallas_src>
import jax
import jax.numpy as jnp
from jax import lax
from jax.experimental import pallas as pl
from jax.experimental.pallas import tpu as pltpu
from jax.experimental.pallas import tpu_sc as plsc

_SEQ = 128
_CLS = 101
_SEP = 102
_TOK = 4096
_B = 16
_D = 128
_HALF = 64
_W = 72
_PAD = 8


def _body(ids_hbm, cu_hbm, emb_hbm,
          word_hbm, mask_hbm, type_hbm, emb_out_hbm,
          cu_v, ebuf0, ebuf1, gids_v, word_v, mask_v, type_v,
          sem_e0, sem_e1, sem_ids, sem_out, sem_cu):
    b = lax.axis_index("s")

    cp_cu = pltpu.async_copy(cu_hbm, cu_v.at[pl.ds(0, _B + 1)], sem_cu)
    lane = lax.iota(jnp.int32, 16)
    zi = jnp.zeros((16,), jnp.int32)
    for kk in range(_SEQ // 16):
        type_v[pl.ds(kk * 16, 16)] = zi
    cp_type = pltpu.async_copy(type_v, type_hbm.at[b], sem_out)
    cp_cu.wait()
    cuv = cu_v[pl.ds(b, 16)]
    start = cuv[0]
    seglen = jnp.minimum(cuv[1] - start, _SEQ - 2)

    def _window(h):
        w0 = start + _HALF * h - 1
        aw = jnp.minimum((jnp.maximum(w0, 0) // 8) * 8, _TOK - _W)
        return pl.multiple_of(aw, 8), w0 - aw

    a8 = jnp.minimum((start // 8) * 8, _TOK - 136)
    sh = start - a8
    cp_ids = pltpu.async_copy(ids_hbm.at[pl.ds(pl.multiple_of(a8, 8), 136)],
                              gids_v.at[pl.ds(8, 136)], sem_ids)

    aw0, sh0 = _window(0)
    aw1, sh1 = _window(1)
    cp_e0 = pltpu.async_copy(emb_hbm.at[pl.ds(aw0, _W), :],
                             ebuf0.at[pl.ds(_PAD, _W), :], sem_e0)
    cp_e1 = pltpu.async_copy(emb_hbm.at[pl.ds(aw1, _W), :],
                             ebuf1.at[pl.ds(_PAD, _W), :], sem_e1)

    for kk in range(_SEQ // 16):
        jj = lane + kk * 16
        mask_v[pl.ds(kk * 16, 16)] = jnp.where(jj <= seglen + 1, 1, 0)
    cp_mask = pltpu.async_copy(mask_v, mask_hbm.at[b], sem_out)

    cp_ids.wait()
    for kk in range(_SEQ // 16):
        jj = lane + kk * 16
        g = gids_v[pl.ds(sh + 7 + kk * 16, 16)]
        tok = (jj >= 1) & (jj <= seglen)
        w = jnp.where(jj == 0, _CLS,
                      jnp.where(tok, g,
                                jnp.where(jj == seglen + 1, _SEP, 0)))
        word_v[pl.ds(kk * 16, 16)] = w
    cp_word = pltpu.async_copy(word_v, word_hbm.at[b], sem_out)

    zf = jnp.zeros((16,), jnp.float32)
    hi = seglen + 1

    def _zero_row_in(buf):
        def _z(r, carry):
            for cc in range(_D // 16):
                buf[r, pl.ds(cc * 16, 16)] = zf
            return carry
        return _z

    cp_e0.wait()
    base0 = _PAD + sh0
    for cc in range(_D // 16):
        ebuf0[base0, pl.ds(cc * 16, 16)] = zf
    lax.fori_loop(jnp.minimum(hi, _HALF) + base0, _HALF + base0,
                  _zero_row_in(ebuf0), 0)
    cp_o0 = pltpu.async_copy(ebuf0.at[pl.ds(base0, _HALF), :],
                             emb_out_hbm.at[b, pl.ds(0, _HALF), :], sem_out)

    cp_e1.wait()
    base1 = _PAD + sh1 - _HALF
    lax.fori_loop(jnp.maximum(hi, _HALF) + base1, _SEQ + base1,
                  _zero_row_in(ebuf1), 0)
    cp_o1 = pltpu.async_copy(ebuf1.at[pl.ds(base1 + _HALF, _HALF), :],
                             emb_out_hbm.at[b, pl.ds(_HALF, _HALF), :], sem_out)

    cp_mask.wait()
    cp_type.wait()
    cp_word.wait()
    cp_o0.wait()
    cp_o1.wait()


@jax.jit
def kernel(flat_ids, cu_seqlens, flat_emb):
    mesh = plsc.VectorSubcoreMesh(core_axis_name="c", subcore_axis_name="s",
                                  num_cores=1)
    out_type = (
        jax.ShapeDtypeStruct((_B, _SEQ), jnp.int32),
        jax.ShapeDtypeStruct((_B, _SEQ), jnp.int32),
        jax.ShapeDtypeStruct((_B, _SEQ), jnp.int32),
        jax.ShapeDtypeStruct((_B, _SEQ, _D), jnp.float32),
    )
    run = pl.kernel(
        _body,
        out_type=out_type,
        mesh=mesh,
        scratch_types=[
            pltpu.VMEM((32,), jnp.int32),
            pltpu.VMEM((208, _D), jnp.float32),
            pltpu.VMEM((208, _D), jnp.float32),
            pltpu.VMEM((272,), jnp.int32),
            pltpu.VMEM((_SEQ,), jnp.int32),
            pltpu.VMEM((_SEQ,), jnp.int32),
            pltpu.VMEM((_SEQ,), jnp.int32),
            pltpu.SemaphoreType.DMA,
            pltpu.SemaphoreType.DMA,
            pltpu.SemaphoreType.DMA,
            pltpu.SemaphoreType.DMA,
            pltpu.SemaphoreType.DMA,
        ],
    )
    return run(flat_ids.astype(jnp.int32), cu_seqlens.astype(jnp.int32),
               flat_emb)

# --- scband reference (transcript-rebuilt; emitter-appended) ---
"""Pipeline reference for scband-bert-lr-preprocessor-20117626815000 (READ-ONLY COPY).

The authoritative reference and input builder live on the scoring server;
editing this copy changes nothing except your own understanding.
"""

import jax, jax.numpy as jnp
import numpy as np

SEQ_LENGTH = 128
CLS_ID = 101
SEP_ID = 102
PAD_ID = 0
TOTAL_TOKENS = 4096
BATCH = 16
D = 128
VOCAB = 30522


def setup_inputs(seed: int = 0) -> dict:
    key = jax.random.key(seed)
    k1, k2, k3 = jax.random.split(key, 3)
    flat_ids = jax.random.randint(k1, (TOTAL_TOKENS,), 0, VOCAB, dtype=jnp.int32)
    cu = jnp.sort(jax.random.randint(k2, (BATCH + 1,), 0, TOTAL_TOKENS, dtype=jnp.int32))
    cu = cu.at[0].set(0).at[-1].set(TOTAL_TOKENS)
    flat_emb = jax.random.normal(k3, (TOTAL_TOKENS, D), dtype=jnp.float32)
    return {"flat_ids": flat_ids, "cu_seqlens": cu, "flat_emb": flat_emb}


def reference(flat_ids, cu_seqlens, flat_emb):
    # Faithful JAX analog of BERT tokenize + bert_pack_inputs on pre-tokenized
    # ragged sequences: truncate each segment to seq_length-2, prepend [CLS],
    # append [SEP], pad to seq_length; emit input_word_ids / input_mask /
    # input_type_ids, plus packed per-token float features (differentiable path).
    B = cu_seqlens.shape[0] - 1
    S = SEQ_LENGTH
    seg_len = cu_seqlens[1:] - cu_seqlens[:-1]            # [B]
    L = jnp.minimum(seg_len, S - 2)                        # tokens kept per segment
    j = jnp.arange(S, dtype=jnp.int32)[None, :]            # [1, S]
    Lb = L[:, None]                                        # [B, 1]
    start = cu_seqlens[:-1][:, None]                       # [B, 1]
    tok_idx = jnp.clip(start + j - 1, 0, flat_ids.shape[0] - 1)  # [B, S]
    gathered_ids = jnp.take(flat_ids, tok_idx, axis=0)     # [B, S] gather
    is_tok = (j >= 1) & (j <= Lb)
    input_word_ids = jnp.where(
        j == 0,
        CLS_ID,
        jnp.where(is_tok, gathered_ids, jnp.where(j == Lb + 1, SEP_ID, PAD_ID)),
    ).astype(jnp.int32)
    input_mask = (j <= Lb + 1).astype(jnp.int32)
    input_type_ids = jnp.zeros((B, S), dtype=jnp.int32)
    gathered_emb = jnp.take(flat_emb, tok_idx, axis=0)     # [B, S, D] gather
    packed_emb = jnp.where(is_tok[..., None], gathered_emb, 0.0)
    return input_word_ids, input_mask, input_type_ids, packed_emb

if __name__ == "__main__":
    import jax
    _d = setup_inputs()
    print(jax.jit(kernel)(*tuple(_d.values())))

</pallas_src>

<mosaic_0001>
#map = affine_map<(d0, d1) -> (0)>
#map1 = affine_map<(d0, d1) -> (0, 0)>
#map2 = affine_map<(d0, d1) -> (0, 0, 0)>
module attributes {stable_mosaic.version = 14 : i64} {
  func.func @_body(%arg0: i32, %arg1: i32, %arg2: memref<4096xi32, #tpu.memory_space<hbm>>, %arg3: memref<17xi32, #tpu.memory_space<hbm>>, %arg4: memref<4096x128xf32, #tpu.memory_space<hbm>>, %arg5: memref<16x128xi32, #tpu.memory_space<hbm>>, %arg6: memref<16x128xi32, #tpu.memory_space<hbm>>, %arg7: memref<16x128xi32, #tpu.memory_space<hbm>>, %arg8: memref<16x128x128xf32, #tpu.memory_space<hbm>>, %arg9: memref<32xi32, #tpu.memory_space<vmem>>, %arg10: memref<208x128xf32, #tpu.memory_space<vmem>>, %arg11: memref<208x128xf32, #tpu.memory_space<vmem>>, %arg12: memref<272xi32, #tpu.memory_space<vmem>>, %arg13: memref<128xi32, #tpu.memory_space<vmem>>, %arg14: memref<128xi32, #tpu.memory_space<vmem>>, %arg15: memref<128xi32, #tpu.memory_space<vmem>>, %arg16: memref<!tpu.dma_semaphore, #tpu.memory_space<semaphore_mem>>, %arg17: memref<!tpu.dma_semaphore, #tpu.memory_space<semaphore_mem>>, %arg18: memref<!tpu.dma_semaphore, #tpu.memory_space<semaphore_mem>>, %arg19: memref<!tpu.dma_semaphore, #tpu.memory_space<semaphore_mem>>, %arg20: memref<!tpu.dma_semaphore, #tpu.memory_space<semaphore_mem>>) attributes {dimension_semantics = [#tpu.dimension_semantics<core_parallel>, #tpu.dimension_semantics<subcore_parallel>], iteration_bounds = array<i64: 1, 16>, scalar_prefetch = 0 : i64, scratch_operands = 12 : i64, tpu.core_type = #tpu.core_type<sc_vector_subcore>, window_params = [{transform_indices = #map}, {transform_indices = #map}, {transform_indices = #map1}, {transform_indices = #map1}, {transform_indices = #map1}, {transform_indices = #map1}, {transform_indices = #map2}]} {
    %dma_start3A = arith.constant 0 : i32
    %dma_start3A_0 = tpu.memref_slice %arg9[%dma_start3A] : memref<32xi32, #tpu.memory_space<vmem>> -> memref<17xi32, #tpu.memory_space<vmem>>
    %dma_start3A_1 = arith.constant 0 : i32
    %dma_start3A_2 = tpu.memref_slice %arg9[%dma_start3A_1] : memref<32xi32, #tpu.memory_space<vmem>> -> memref<17xi32, #tpu.memory_space<vmem>>
    tpu.enqueue_dma source(%arg3 : memref<17xi32, #tpu.memory_space<hbm>>) target(%dma_start3A_2 : memref<17xi32, #tpu.memory_space<vmem>>) target_semaphore(%arg20 : memref<!tpu.dma_semaphore, #tpu.memory_space<semaphore_mem>>)
    %iota3A = tpu.iota {dimensions = array<i32: 0>} : vector<16xi32>
    %broadcast_in_dim3A = arith.constant 0 : i32
    %broadcast_in_dim3A_3 = vector.broadcast %broadcast_in_dim3A : i32 to vector<16xi32>
    %swap3A = arith.constant 0 : index
    %swap3A_4 = tpu.vector_load %arg15[%swap3A] {strides = array<i32>} : memref<128xi32, #tpu.memory_space<vmem>>, vector<16xi32>,
    %swap3A_5 = vector.shape_cast %swap3A_4 : vector<16xi32> to vector<16xi32>
    %swap3A_6 = vector.shape_cast %broadcast_in_dim3A_3 : vector<16xi32> to vector<16xi32>
    tpu.vector_store %arg15[%swap3A], %swap3A_6 {strides = array<i32>} : memref<128xi32, #tpu.memory_space<vmem>>, vector<16xi32>,
    %swap3A_7 = arith.constant 16 : index
    %swap3A_8 = tpu.vector_load %arg15[%swap3A_7] {strides = array<i32>} : memref<128xi32, #tpu.memory_space<vmem>>, vector<16xi32>,
    %swap3A_9 = vector.shape_cast %swap3A_8 : vector<16xi32> to vector<16xi32>
    %swap3A_10 = vector.shape_cast %broadcast_in_dim3A_3 : vector<16xi32> to vector<16xi32>
    tpu.vector_store %arg15[%swap3A_7], %swap3A_10 {strides = array<i32>} : memref<128xi32, #tpu.memory_space<vmem>>, vector<16xi32>,
    %swap3A_11 = arith.constant 32 : index
    %swap3A_12 = tpu.vector_load %arg15[%swap3A_11] {strides = array<i32>} : memref<128xi32, #tpu.memory_space<vmem>>, vector<16xi32>,
    %swap3A_13 = vector.shape_cast %swap3A_12 : vector<16xi32> to vector<16xi32>
    %swap3A_14 = vector.shape_cast %broadcast_in_dim3A_3 : vector<16xi32> to vector<16xi32>
    tpu.vector_store %arg15[%swap3A_11], %swap3A_14 {strides = array<i32>} : memref<128xi32, #tpu.memory_space<vmem>>, vector<16xi32>,
    %swap3A_15 = arith.constant 48 : index
    %swap3A_16 = tpu.vector_load %arg15[%swap3A_15] {strides = array<i32>} : memref<128xi32, #tpu.memory_space<vmem>>, vector<16xi32>,
    %swap3A_17 = vector.shape_cast %swap3A_16 : vector<16xi32> to vector<16xi32>
    %swap3A_18 = vector.shape_cast %broadcast_in_dim3A_3 : vector<16xi32> to vector<16xi32>
    tpu.vector_store %arg15[%swap3A_15], %swap3A_18 {strides = array<i32>} : memref<128xi32, #tpu.memory_space<vmem>>, vector<16xi32>,
    %swap3A_19 = arith.constant 64 : index
    %swap3A_20 = tpu.vector_load %arg15[%swap3A_19] {strides = array<i32>} : memref<128xi32, #tpu.memory_space<vmem>>, vector<16xi32>,
    %swap3A_21 = vector.shape_cast %swap3A_20 : vector<16xi32> to vector<16xi32>
    %swap3A_22 = vector.shape_cast %broadcast_in_dim3A_3 : vector<16xi32> to vector<16xi32>
    tpu.vector_store %arg15[%swap3A_19], %swap3A_22 {strides = array<i32>} : memref<128xi32, #tpu.memory_space<vmem>>, vector<16xi32>,
    %swap3A_23 = arith.constant 80 : index
    %swap3A_24 = tpu.vector_load %arg15[%swap3A_23] {strides = array<i32>} : memref<128xi32, #tpu.memory_space<vmem>>, vector<16xi32>,
    %swap3A_25 = vector.shape_cast %swap3A_24 : vector<16xi32> to vector<16xi32>
    %swap3A_26 = vector.shape_cast %broadcast_in_dim3A_3 : vector<16xi32> to vector<16xi32>
    tpu.vector_store %arg15[%swap3A_23], %swap3A_26 {strides = array<i32>} : memref<128xi32, #tpu.memory_space<vmem>>, vector<16xi32>,
    %swap3A_27 = arith.constant 96 : index
    %swap3A_28 = tpu.vector_load %arg15[%swap3A_27] {strides = array<i32>} : memref<128xi32, #tpu.memory_space<vmem>>, vector<16xi32>,
    %swap3A_29 = vector.shape_cast %swap3A_28 : vector<16xi32> to vector<16xi32>
    %swap3A_30 = vector.shape_cast %broadcast_in_dim3A_3 : vector<16xi32> to vector<16xi32>
    tpu.vector_store %arg15[%swap3A_27], %swap3A_30 {strides = array<i32>} : memref<128xi32, #tpu.memory_space<vmem>>, vector<16xi32>,
    %swap3A_31 = arith.constant 112 : index
    %swap3A_32 = tpu.vector_load %arg15[%swap3A_31] {strides = array<i32>} : memref<128xi32, #tpu.memory_space<vmem>>, vector<16xi32>,
    %swap3A_33 = vector.shape_cast %swap3A_32 : vector<16xi32> to vector<16xi32>
    %swap3A_34 = vector.shape_cast %broadcast_in_dim3A_3 : vector<16xi32> to vector<16xi32>
    tpu.vector_store %arg15[%swap3A_31], %swap3A_34 {strides = array<i32>} : memref<128xi32, #tpu.memory_space<vmem>>, vector<16xi32>,
    %dma_start3A_35 = arith.constant 0 : i32
    %dma_start3A_36 = tpu.memref_slice %arg7[%arg1, %dma_start3A_35] : memref<16x128xi32, #tpu.memory_space<hbm>> -> memref<1x128xi32, #tpu.memory_space<hbm>>
    %dma_start3A_37 = tpu.memref_squeeze %dma_start3A_36 : memref<1x128xi32, #tpu.memory_space<hbm>> -> memref<128xi32, #tpu.memory_space<hbm>>
    %dma_start3A_38 = arith.constant 0 : i32
    %dma_start3A_39 = tpu.memref_slice %arg7[%arg1, %dma_start3A_38] : memref<16x128xi32, #tpu.memory_space<hbm>> -> memref<1x128xi32, #tpu.memory_space<hbm>>
    %dma_start3A_40 = tpu.memref_squeeze %dma_start3A_39 : memref<1x128xi32, #tpu.memory_space<hbm>> -> memref<128xi32, #tpu.memory_space<hbm>>
    tpu.enqueue_dma source(%arg15 : memref<128xi32, #tpu.memory_space<vmem>>) target(%dma_start3A_40 : memref<128xi32, #tpu.memory_space<hbm>>) target_semaphore(%arg19 : memref<!tpu.dma_semaphore, #tpu.memory_space<semaphore_mem>>)
    %dma_wait3A = arith.constant 0 : i32
    %dma_wait3A_41 = tpu.memref_slice %arg9[%dma_wait3A] : memref<32xi32, #tpu.memory_space<vmem>> -> memref<17xi32, #tpu.memory_space<vmem>>
    %dma_wait3A_42 = arith.constant 0 : i32
    %dma_wait3A_43 = tpu.memref_slice %arg9[%dma_wait3A_42] : memref<32xi32, #tpu.memory_space<vmem>> -> memref<17xi32, #tpu.memory_space<vmem>>
    tpu.wait_dma2 semaphore(%arg20 : memref<!tpu.dma_semaphore, #tpu.memory_space<semaphore_mem>>) src(%arg3 : memref<17xi32, #tpu.memory_space<hbm>>) dst(%dma_wait3A_43 : memref<17xi32, #tpu.memory_space<vmem>>)
    %get3A = arith.index_cast %arg1 : i32 to index
    %get3A_44 = tpu.vector_load %arg9[%get3A] {strides = array<i32>} : memref<32xi32, #tpu.memory_space<vmem>>, vector<16xi32>,
    %get3A_45 = vector.shape_cast %get3A_44 : vector<16xi32> to vector<16xi32>
    %slice3A = vector.extract_strided_slice %get3A_45 {offsets = [0], sizes = [1], strides = [1]} : vector<16xi32> to vector<1xi32>
    %squeeze3A = vector.extract %slice3A[0] : i32 from vector<1xi32>
    %slice3A_46 = vector.extract_strided_slice %get3A_45 {offsets = [1], sizes = [1], strides = [1]} : vector<16xi32> to vector<1xi32>
    %squeeze3A_47 = vector.extract %slice3A_46[0] : i32 from vector<1xi32>
    %sub3A = arith.subi %squeeze3A_47, %squeeze3A : i32
    %min3A = arith.constant 126 : i32
    %min3A_48 = arith.minsi %sub3A, %min3A : i32
    %jit3A = arith.constant 8 : i32
    %div3A = arith.divsi %squeeze3A, %jit3A : i32
    %sign3A = arith.constant 0 : i32
    %sign3A_49 = arith.cmpi sgt, %squeeze3A, %sign3A : i32
    %sign3A_50 = arith.extui %sign3A_49 : i1 to i32
    %sign3A_51 = arith.constant 0 : i32
    %sign3A_52 = arith.cmpi slt, %squeeze3A, %sign3A_51 : i32
    %sign3A_53 = arith.extui %sign3A_52 : i1 to i32
    %sign3A_54 = arith.subi %sign3A_50, %sign3A_53 : i32
    %sign3A_55 = arith.constant 0 : i32
    %sign3A_56 = arith.cmpi sgt, %jit3A, %sign3A_55 : i32
    %sign3A_57 = arith.extui %sign3A_56 : i1 to i32
    %sign3A_58 = arith.constant 0 : i32
    %sign3A_59 = arith.cmpi slt, %jit3A, %sign3A_58 : i32
    %sign3A_60 = arith.extui %sign3A_59 : i1 to i32
    %sign3A_61 = arith.subi %sign3A_57, %sign3A_60 : i32
    %ne3A = arith.cmpi ne, %sign3A_54, %sign3A_61 : i32
    %rem3A = arith.remsi %squeeze3A, %jit3A : i32
    %ne3A_62 = arith.constant 0 : i32
    %ne3A_63 = arith.cmpi ne, %rem3A, %ne3A_62 : i32
    %and3A = arith.andi %ne3A, %ne3A_63 : i1
    %sub3A_64 = arith.constant 1 : i32
    %sub3A_65 = arith.subi %div3A, %sub3A_64 : i32
    %select_n3A = arith.select %and3A, %sub3A_65, %div3A : i32
    %mul3A = arith.constant 8 : i32
    %mul3A_66 = arith.muli %select_n3A, %mul3A : i32
    %min3A_67 = arith.constant 3960 : i32
    %min3A_68 = arith.minsi %mul3A_66, %min3A_67 : i32
    %sub3A_69 = arith.subi %squeeze3A, %min3A_68 : i32
    %multiple_of3A = tpu.assume_multiple %min3A_68, 8 : i32
    %dma_start3A_70 = arith.constant 8 : i32
    %dma_start3A_71 = tpu.memref_slice %arg12[%dma_start3A_70] : memref<272xi32, #tpu.memory_space<vmem>> -> memref<136xi32, #tpu.memory_space<vmem>>
    %dma_start3A_72 = tpu.memref_slice %arg2[%multiple_of3A] : memref<4096xi32, #tpu.memory_space<hbm>> -> memref<136xi32, #tpu.memory_space<hbm>>
    %dma_start3A_73 = arith.constant 8 : i32
    %dma_start3A_74 = tpu.memref_slice %arg12[%dma_start3A_73] : memref<272xi32, #tpu.memory_space<vmem>> -> memref<136xi32, #tpu.memory_space<vmem>>
    %dma_start3A_75 = tpu.memref_slice %arg2[%multiple_of3A] : memref<4096xi32, #tpu.memory_space<hbm>> -> memref<136xi32, #tpu.memory_space<hbm>>
    tpu.enqueue_dma source(%dma_start3A_75 : memref<136xi32, #tpu.memory_space<hbm>>) target(%dma_start3A_74 : memref<136xi32, #tpu.memory_space<vmem>>) target_semaphore(%arg18 : memref<!tpu.dma_semaphore, #tpu.memory_space<semaphore_mem>>)
    %add3A = arith.constant 0 : i32
    %add3A_76 = arith.addi %squeeze3A, %add3A : i32
    %sub3A_77 = arith.constant 1 : i32
    %sub3A_78 = arith.subi %add3A_76, %sub3A_77 : i32
    %max3A = arith.constant 0 : i32
    %max3A_79 = arith.maxsi %sub3A_78, %max3A : i32
    %jit3A_80 = arith.constant 8 : i32
    %div3A_81 = arith.divsi %max3A_79, %jit3A_80 : i32
    %sign3A_82 = arith.constant 0 : i32
    %sign3A_83 = arith.cmpi sgt, %max3A_79, %sign3A_82 : i32
    %sign3A_84 = arith.extui %sign3A_83 : i1 to i32
    %sign3A_85 = arith.constant 0 : i32
    %sign3A_86 = arith.cmpi slt, %max3A_79, %sign3A_85 : i32
    %sign3A_87 = arith.extui %sign3A_86 : i1 to i32
    %sign3A_88 = arith.subi %sign3A_84, %sign3A_87 : i32
    %sign3A_89 = arith.constant 0 : i32
    %sign3A_90 = arith.cmpi sgt, %jit3A_80, %sign3A_89 : i32
    %sign3A_91 = arith.extui %sign3A_90 : i1 to i32
    %sign3A_92 = arith.constant 0 : i32
    %sign3A_93 = arith.cmpi slt, %jit3A_80, %sign3A_92 : i32
    %sign3A_94 = arith.extui %sign3A_93 : i1 to i32
    %sign3A_95 = arith.subi %sign3A_91, %sign3A_94 : i32
    %ne3A_96 = arith.cmpi ne, %sign3A_88, %sign3A_95 : i32
    %rem3A_97 = arith.remsi %max3A_79, %jit3A_80 : i32
    %ne3A_98 = arith.constant 0 : i32
    %ne3A_99 = arith.cmpi ne, %rem3A_97, %ne3A_98 : i32
    %and3A_100 = arith.andi %ne3A_96, %ne3A_99 : i1
    %sub3A_101 = arith.constant 1 : i32
    %sub3A_102 = arith.subi %div3A_81, %sub3A_101 : i32
    %select_n3A_103 = arith.select %and3A_100, %sub3A_102, %div3A_81 : i32
    %mul3A_104 = arith.constant 8 : i32
    %mul3A_105 = arith.muli %select_n3A_103, %mul3A_104 : i32
    %min3A_106 = arith.constant 4024 : i32
    %min3A_107 = arith.minsi %mul3A_105, %min3A_106 : i32
    %multiple_of3A_108 = tpu.assume_multiple %min3A_107, 8 : i32
    %sub3A_109 = arith.subi %sub3A_78, %min3A_107 : i32
    %add3A_110 = arith.constant 64 : i32
    %add3A_111 = arith.addi %squeeze3A, %add3A_110 : i32
    %sub3A_112 = arith.constant 1 : i32
    %sub3A_113 = arith.subi %add3A_111, %sub3A_112 : i32
    %max3A_114 = arith.constant 0 : i32
    %max3A_115 = arith.maxsi %sub3A_113, %max3A_114 : i32
    %jit3A_116 = arith.constant 8 : i32
    %div3A_117 = arith.divsi %max3A_115, %jit3A_116 : i32
    %sign3A_118 = arith.constant 0 : i32
    %sign3A_119 = arith.cmpi sgt, %max3A_115, %sign3A_118 : i32
    %sign3A_120 = arith.extui %sign3A_119 : i1 to i32
    %sign3A_121 = arith.constant 0 : i32
    %sign3A_122 = arith.cmpi slt, %max3A_115, %sign3A_121 : i32
    %sign3A_123 = arith.extui %sign3A_122 : i1 to i32
    %sign3A_124 = arith.subi %sign3A_120, %sign3A_123 : i32
    %sign3A_125 = arith.constant 0 : i32
    %sign3A_126 = arith.cmpi sgt, %jit3A_116, %sign3A_125 : i32
    %sign3A_127 = arith.extui %sign3A_126 : i1 to i32
    %sign3A_128 = arith.constant 0 : i32
    %sign3A_129 = arith.cmpi slt, %jit3A_116, %sign3A_128 : i32
    %sign3A_130 = arith.extui %sign3A_129 : i1 to i32
    %sign3A_131 = arith.subi %sign3A_127, %sign3A_130 : i32
    %ne3A_132 = arith.cmpi ne, %sign3A_124, %sign3A_131 : i32
    %rem3A_133 = arith.remsi %max3A_115, %jit3A_116 : i32
    %ne3A_134 = arith.constant 0 : i32
    %ne3A_135 = arith.cmpi ne, %rem3A_133, %ne3A_134 : i32
    %and3A_136 = arith.andi %ne3A_132, %ne3A_135 : i1
    %sub3A_137 = arith.constant 1 : i32
    %sub3A_138 = arith.subi %div3A_117, %sub3A_137 : i32
    %select_n3A_139 = arith.select %and3A_136, %sub3A_138, %div3A_117 : i32
    %mul3A_140 = arith.constant 8 : i32
    %mul3A_141 = arith.muli %select_n3A_139, %mul3A_140 : i32
    %min3A_142 = arith.constant 4024 : i32
    %min3A_143 = arith.minsi %mul3A_141, %min3A_142 : i32
    %multiple_of3A_144 = tpu.assume_multiple %min3A_143, 8 : i32
    %sub3A_145 = arith.subi %sub3A_113, %min3A_143 : i32
    %dma_start3A_146 = arith.constant 8 : i32
    %dma_start3A_147 = arith.constant 0 : i32
    %dma_start3A_148 = tpu.memref_slice %arg10[%dma_start3A_146, %dma_start3A_147] : memref<208x128xf32, #tpu.memory_space<vmem>> -> memref<72x128xf32, #tpu.memory_space<vmem>>
    %dma_start3A_149 = arith.constant 0 : i32
    %dma_start3A_150 = tpu.memref_slice %arg4[%multiple_of3A_108, %dma_start3A_149] : memref<4096x128xf32, #tpu.memory_space<hbm>> -> memref<72x128xf32, #tpu.memory_space<hbm>>
    %dma_start3A_151 = arith.constant 8 : i32
    %dma_start3A_152 = arith.constant 0 : i32
    %dma_start3A_153 = tpu.memref_slice %arg10[%dma_start3A_151, %dma_start3A_152] : memref<208x128xf32, #tpu.memory_space<vmem>> -> memref<72x128xf32, #tpu.memory_space<vmem>>
    %dma_start3A_154 = arith.constant 0 : i32
    %dma_start3A_155 = tpu.memref_slice %arg4[%multiple_of3A_108, %dma_start3A_154] : memref<4096x128xf32, #tpu.memory_space<hbm>> -> memref<72x128xf32, #tpu.memory_space<hbm>>
    tpu.enqueue_dma source(%dma_start3A_155 : memref<72x128xf32, #tpu.memory_space<hbm>>) target(%dma_start3A_153 : memref<72x128xf32, #tpu.memory_space<vmem>>) target_semaphore(%arg16 : memref<!tpu.dma_semaphore, #tpu.memory_space<semaphore_mem>>)
    %dma_start3A_156 = arith.constant 8 : i32
    %dma_start3A_157 = arith.constant 0 : i32
    %dma_start3A_158 = tpu.memref_slice %arg11[%dma_start3A_156, %dma_start3A_157] : memref<208x128xf32, #tpu.memory_space<vmem>> -> memref<72x128xf32, #tpu.memory_space<vmem>>
    %dma_start3A_159 = arith.constant 0 : i32
    %dma_start3A_160 = tpu.memref_slice %arg4[%multiple_of3A_144, %dma_start3A_159] : memref<4096x128xf32, #tpu.memory_space<hbm>> -> memref<72x128xf32, #tpu.memory_space<hbm>>
    %dma_start3A_161 = arith.constant 8 : i32
    %dma_start3A_162 = arith.constant 0 : i32
    %dma_start3A_163 = tpu.memref_slice %arg11[%dma_start3A_161, %dma_start3A_162] : memref<208x128xf32, #tpu.memory_space<vmem>> -> memref<72x128xf32, #tpu.memory_space<vmem>>
    %dma_start3A_164 = arith.constant 0 : i32
    %dma_start3A_165 = tpu.memref_slice %arg4[%multiple_of3A_144, %dma_start3A_164] : memref<4096x128xf32, #tpu.memory_space<hbm>> -> memref<72x128xf32, #tpu.memory_space<hbm>>
    tpu.enqueue_dma source(%dma_start3A_165 : memref<72x128xf32, #tpu.memory_space<hbm>>) target(%dma_start3A_163 : memref<72x128xf32, #tpu.memory_space<vmem>>) target_semaphore(%arg17 : memref<!tpu.dma_semaphore, #tpu.memory_space<semaphore_mem>>)
    %add3A_166 = arith.constant 0 : i32
    %add3A_167 = vector.broadcast %add3A_166 : i32 to vector<16xi32>
    %add3A_168 = arith.addi %iota3A, %add3A_167 : vector<16xi32>
    %add3A_169 = arith.constant 1 : i32
    %add3A_170 = arith.addi %min3A_48, %add3A_169 : i32
    %le3A = vector.broadcast %add3A_170 : i32 to vector<16xi32>
    %le3A_171 = arith.cmpi sle, %add3A_168, %le3A : vector<16xi32>
    %jit3A_172 = arith.constant 1 : i32
    %jit3A_173 = arith.constant 0 : i32
    %broadcast_in_dim3A_174 = vector.broadcast %jit3A_172 : i32 to vector<16xi32>
    %broadcast_in_dim3A_175 = vector.broadcast %jit3A_173 : i32 to vector<16xi32>
    %select_n3A_176 = arith.select %le3A_171, %broadcast_in_dim3A_174, %broadcast_in_dim3A_175 : vector<16xi1>, vector<16xi32>
    %swap3A_177 = arith.constant 0 : index
    %swap3A_178 = tpu.vector_load %arg14[%swap3A_177] {strides = array<i32>} : memref<128xi32, #tpu.memory_space<vmem>>, vector<16xi32>,
    %swap3A_179 = vector.shape_cast %swap3A_178 : vector<16xi32> to vector<16xi32>
    %swap3A_180 = vector.shape_cast %select_n3A_176 : vector<16xi32> to vector<16xi32>
    tpu.vector_store %arg14[%swap3A_177], %swap3A_180 {strides = array<i32>} : memref<128xi32, #tpu.memory_space<vmem>>, vector<16xi32>,
    %add3A_181 = arith.constant 16 : i32
    %add3A_182 = vector.broadcast %add3A_181 : i32 to vector<16xi32>
    %add3A_183 = arith.addi %iota3A, %add3A_182 : vector<16xi32>
    %add3A_184 = arith.constant 1 : i32
    %add3A_185 = arith.addi %min3A_48, %add3A_184 : i32
    %le3A_186 = vector.broadcast %add3A_185 : i32 to vector<16xi32>
    %le3A_187 = arith.cmpi sle, %add3A_183, %le3A_186 : vector<16xi32>
    %jit3A_188 = arith.constant 1 : i32
    %jit3A_189 = arith.constant 0 : i32
    %broadcast_in_dim3A_190 = vector.broadcast %jit3A_188 : i32 to vector<16xi32>
    %broadcast_in_dim3A_191 = vector.broadcast %jit3A_189 : i32 to vector<16xi32>
    %select_n3A_192 = arith.select %le3A_187, %broadcast_in_dim3A_190, %broadcast_in_dim3A_191 : vector<16xi1>, vector<16xi32>
    %swap3A_193 = arith.constant 16 : index
    %swap3A_194 = tpu.vector_load %arg14[%swap3A_193] {strides = array<i32>} : memref<128xi32, #tpu.memory_space<vmem>>, vector<16xi32>,
    %swap3A_195 = vector.shape_cast %swap3A_194 : vector<16xi32> to vector<16xi32>
    %swap3A_196 = vector.shape_cast %select_n3A_192 : vector<16xi32> to vector<16xi32>
    tpu.vector_store %arg14[%swap3A_193], %swap3A_196 {strides = array<i32>} : memref<128xi32, #tpu.memory_space<vmem>>, vector<16xi32>,
    %add3A_197 = arith.constant 32 : i32
    %add3A_198 = vector.broadcast %add3A_197 : i32 to vector<16xi32>
    %add3A_199 = arith.addi %iota3A, %add3A_198 : vector<16xi32>
    %add3A_200 = arith.constant 1 : i32
    %add3A_201 = arith.addi %min3A_48, %add3A_200 : i32
    %le3A_202 = vector.broadcast %add3A_201 : i32 to vector<16xi32>
    %le3A_203 = arith.cmpi sle, %add3A_199, %le3A_202 : vector<16xi32>
    %jit3A_204 = arith.constant 1 : i32
    %jit3A_205 = arith.constant 0 : i32
    %broadcast_in_dim3A_206 = vector.broadcast %jit3A_204 : i32 to vector<16xi32>
    %broadcast_in_dim3A_207 = vector.broadcast %jit3A_205 : i32 to vector<16xi32>
    %select_n3A_208 = arith.select %le3A_203, %broadcast_in_dim3A_206, %broadcast_in_dim3A_207 : vector<16xi1>, vector<16xi32>
    %swap3A_209 = arith.constant 32 : index
    %swap3A_210 = tpu.vector_load %arg14[%swap3A_209] {strides = array<i32>} : memref<128xi32, #tpu.memory_space<vmem>>, vector<16xi32>,
    %swap3A_211 = vector.shape_cast %swap3A_210 : vector<16xi32> to vector<16xi32>
    %swap3A_212 = vector.shape_cast %select_n3A_208 : vector<16xi32> to vector<16xi32>
    tpu.vector_store %arg14[%swap3A_209], %swap3A_212 {strides = array<i32>} : memref<128xi32, #tpu.memory_space<vmem>>, vector<16xi32>,
    %add3A_213 = arith.constant 48 : i32
    %add3A_214 = vector.broadcast %add3A_213 : i32 to vector<16xi32>
    %add3A_215 = arith.addi %iota3A, %add3A_214 : vector<16xi32>
    %add3A_216 = arith.constant 1 : i32
    %add3A_217 = arith.addi %min3A_48, %add3A_216 : i32
    %le3A_218 = vector.broadcast %add3A_217 : i32 to vector<16xi32>
    %le3A_219 = arith.cmpi sle, %add3A_215, %le3A_218 : vector<16xi32>
    %jit3A_220 = arith.constant 1 : i32
    %jit3A_221 = arith.constant 0 : i32
    %broadcast_in_dim3A_222 = vector.broadcast %jit3A_220 : i32 to vector<16xi32>
    %broadcast_in_dim3A_223 = vector.broadcast %jit3A_221 : i32 to vector<16xi32>
    %select_n3A_224 = arith.select %le3A_219, %broadcast_in_dim3A_222, %broadcast_in_dim3A_223 : vector<16xi1>, vector<16xi32>
    %swap3A_225 = arith.constant 48 : index
    %swap3A_226 = tpu.vector_load %arg14[%swap3A_225] {strides = array<i32>} : memref<128xi32, #tpu.memory_space<vmem>>, vector<16xi32>,
    %swap3A_227 = vector.shape_cast %swap3A_226 : vector<16xi32> to vector<16xi32>
    %swap3A_228 = vector.shape_cast %select_n3A_224 : vector<16xi32> to vector<16xi32>
    tpu.vector_store %arg14[%swap3A_225], %swap3A_228 {strides = array<i32>} : memref<128xi32, #tpu.memory_space<vmem>>, vector<16xi32>,
    %add3A_229 = arith.constant 64 : i32
    %add3A_230 = vector.broadcast %add3A_229 : i32 to vector<16xi32>
    %add3A_231 = arith.addi %iota3A, %add3A_230 : vector<16xi32>
    %add3A_232 = arith.constant 1 : i32
    %add3A_233 = arith.addi %min3A_48, %add3A_232 : i32
    %le3A_234 = vector.broadcast %add3A_233 : i32 to vector<16xi32>
    %le3A_235 = arith.cmpi sle, %add3A_231, %le3A_234 : vector<16xi32>
    %jit3A_236 = arith.constant 1 : i32
    %jit3A_237 = arith.constant 0 : i32
    %broadcast_in_dim3A_238 = vector.broadcast %jit3A_236 : i32 to vector<16xi32>
    %broadcast_in_dim3A_239 = vector.broadcast %jit3A_237 : i32 to vector<16xi32>
    %select_n3A_240 = arith.select %le3A_235, %broadcast_in_dim3A_238, %broadcast_in_dim3A_239 : vector<16xi1>, vector<16xi32>
    %swap3A_241 = arith.constant 64 : index
    %swap3A_242 = tpu.vector_load %arg14[%swap3A_241] {strides = array<i32>} : memref<128xi32, #tpu.memory_space<vmem>>, vector<16xi32>,
    %swap3A_243 = vector.shape_cast %swap3A_242 : vector<16xi32> to vector<16xi32>
    %swap3A_244 = vector.shape_cast %select_n3A_240 : vector<16xi32> to vector<16xi32>
    tpu.vector_store %arg14[%swap3A_241], %swap3A_244 {strides = array<i32>} : memref<128xi32, #tpu.memory_space<vmem>>, vector<16xi32>,
    %add3A_245 = arith.constant 80 : i32
    %add3A_246 = vector.broadcast %add3A_245 : i32 to vector<16xi32>
    %add3A_247 = arith.addi %iota3A, %add3A_246 : vector<16xi32>
    %add3A_248 = arith.constant 1 : i32
    %add3A_249 = arith.addi %min3A_48, %add3A_248 : i32
    %le3A_250 = vector.broadcast %add3A_249 : i32 to vector<16xi32>
    %le3A_251 = arith.cmpi sle, %add3A_247, %le3A_250 : vector<16xi32>
    %jit3A_252 = arith.constant 1 : i32
    %jit3A_253 = arith.constant 0 : i32
    %broadcast_in_dim3A_254 = vector.broadcast %jit3A_252 : i32 to vector<16xi32>
    %broadcast_in_dim3A_255 = vector.broadcast %jit3A_253 : i32 to vector<16xi32>
    %select_n3A_256 = arith.select %le3A_251, %broadcast_in_dim3A_254, %broadcast_in_dim3A_255 : vector<16xi1>, vector<16xi32>
    %swap3A_257 = arith.constant 80 : index
    %swap3A_258 = tpu.vector_load %arg14[%swap3A_257] {strides = array<i32>} : memref<128xi32, #tpu.memory_space<vmem>>, vector<16xi32>,
    %swap3A_259 = vector.shape_cast %swap3A_258 : vector<16xi32> to vector<16xi32>
    %swap3A_260 = vector.shape_cast %select_n3A_256 : vector<16xi32> to vector<16xi32>
    tpu.vector_store %arg14[%swap3A_257], %swap3A_260 {strides = array<i32>} : memref<128xi32, #tpu.memory_space<vmem>>, vector<16xi32>,
    %add3A_261 = arith.constant 96 : i32
    %add3A_262 = vector.broadcast %add3A_261 : i32 to vector<16xi32>
    %add3A_263 = arith.addi %iota3A, %add3A_262 : vector<16xi32>
    %add3A_264 = arith.constant 1 : i32
    %add3A_265 = arith.addi %min3A_48, %add3A_264 : i32
    %le3A_266 = vector.broadcast %add3A_265 : i32 to vector<16xi32>
    %le3A_267 = arith.cmpi sle, %add3A_263, %le3A_266 : vector<16xi32>
    %jit3A_268 = arith.constant 1 : i32
    %jit3A_269 = arith.constant 0 : i32
    %broadcast_in_dim3A_270 = vector.broadcast %jit3A_268 : i32 to vector<16xi32>
    %broadcast_in_dim3A_271 = vector.broadcast %jit3A_269 : i32 to vector<16xi32>
    %select_n3A_272 = arith.select %le3A_267, %broadcast_in_dim3A_270, %broadcast_in_dim3A_271 : vector<16xi1>, vector<16xi32>
    %swap3A_273 = arith.constant 96 : index
    %swap3A_274 = tpu.vector_load %arg14[%swap3A_273] {strides = array<i32>} : memref<128xi32, #tpu.memory_space<vmem>>, vector<16xi32>,
    %swap3A_275 = vector.shape_cast %swap3A_274 : vector<16xi32> to vector<16xi32>
    %swap3A_276 = vector.shape_cast %select_n3A_272 : vector<16xi32> to vector<16xi32>
    tpu.vector_store %arg14[%swap3A_273], %swap3A_276 {strides = array<i32>} : memref<128xi32, #tpu.memory_space<vmem>>, vector<16xi32>,
    %add3A_277 = arith.constant 112 : i32
    %add3A_278 = vector.broadcast %add3A_277 : i32 to vector<16xi32>
    %add3A_279 = arith.addi %iota3A, %add3A_278 : vector<16xi32>
    %add3A_280 = arith.constant 1 : i32
    %add3A_281 = arith.addi %min3A_48, %add3A_280 : i32
    %le3A_282 = vector.broadcast %add3A_281 : i32 to vector<16xi32>
    %le3A_283 = arith.cmpi sle, %add3A_279, %le3A_282 : vector<16xi32>
    %jit3A_284 = arith.constant 1 : i32
    %jit3A_285 = arith.constant 0 : i32
    %broadcast_in_dim3A_286 = vector.broadcast %jit3A_284 : i32 to vector<16xi32>
    %broadcast_in_dim3A_287 = vector.broadcast %jit3A_285 : i32 to vector<16xi32>
    %select_n3A_288 = arith.select %le3A_283, %broadcast_in_dim3A_286, %broadcast_in_dim3A_287 : vector<16xi1>, vector<16xi32>
    %swap3A_289 = arith.constant 112 : index
    %swap3A_290 = tpu.vector_load %arg14[%swap3A_289] {strides = array<i32>} : memref<128xi32, #tpu.memory_space<vmem>>, vector<16xi32>,
    %swap3A_291 = vector.shape_cast %swap3A_290 : vector<16xi32> to vector<16xi32>
    %swap3A_292 = vector.shape_cast %select_n3A_288 : vector<16xi32> to vector<16xi32>
    tpu.vector_store %arg14[%swap3A_289], %swap3A_292 {strides = array<i32>} : memref<128xi32, #tpu.memory_space<vmem>>, vector<16xi32>,
    %dma_start3A_293 = arith.constant 0 : i32
    %dma_start3A_294 = tpu.memref_slice %arg6[%arg1, %dma_start3A_293] : memref<16x128xi32, #tpu.memory_space<hbm>> -> memref<1x128xi32, #tpu.memory_space<hbm>>
    %dma_start3A_295 = tpu.memref_squeeze %dma_start3A_294 : memref<1x128xi32, #tpu.memory_space<hbm>> -> memref<128xi32, #tpu.memory_space<hbm>>
    %dma_start3A_296 = arith.constant 0 : i32
    %dma_start3A_297 = tpu.memref_slice %arg6[%arg1, %dma_start3A_296] : memref<16x128xi32, #tpu.memory_space<hbm>> -> memref<1x128xi32, #tpu.memory_space<hbm>>
    %dma_start3A_298 = tpu.memref_squeeze %dma_start3A_297 : memref<1x128xi32, #tpu.memory_space<hbm>> -> memref<128xi32, #tpu.memory_space<hbm>>
    tpu.enqueue_dma source(%arg14 : memref<128xi32, #tpu.memory_space<vmem>>) target(%dma_start3A_298 : memref<128xi32, #tpu.memory_space<hbm>>) target_semaphore(%arg19 : memref<!tpu.dma_semaphore, #tpu.memory_space<semaphore_mem>>)
    %dma_wait3A_299 = arith.constant 8 : i32
    %dma_wait3A_300 = tpu.memref_slice %arg12[%dma_wait3A_299] : memref<272xi32, #tpu.memory_space<vmem>> -> memref<136xi32, #tpu.memory_space<vmem>>
    %dma_wait3A_301 = tpu.memref_slice %arg2[%multiple_of3A] : memref<4096xi32, #tpu.memory_space<hbm>> -> memref<136xi32, #tpu.memory_space<hbm>>
    %dma_wait3A_302 = arith.constant 8 : i32
    %dma_wait3A_303 = tpu.memref_slice %arg12[%dma_wait3A_302] : memref<272xi32, #tpu.memory_space<vmem>> -> memref<136xi32, #tpu.memory_space<vmem>>
    %dma_wait3A_304 = tpu.memref_slice %arg2[%multiple_of3A] : memref<4096xi32, #tpu.memory_space<hbm>> -> memref<136xi32, #tpu.memory_space<hbm>>
    tpu.wait_dma2 semaphore(%arg18 : memref<!tpu.dma_semaphore, #tpu.memory_space<semaphore_mem>>) src(%dma_wait3A_304 : memref<136xi32, #tpu.memory_space<hbm>>) dst(%dma_wait3A_303 : memref<136xi32, #tpu.memory_space<vmem>>)
    %add3A_305 = arith.constant 0 : i32
    %add3A_306 = vector.broadcast %add3A_305 : i32 to vector<16xi32>
    %add3A_307 = arith.addi %iota3A, %add3A_306 : vector<16xi32>
    %add3A_308 = arith.constant 7 : i32
    %add3A_309 = arith.addi %sub3A_69, %add3A_308 : i32
    %add3A_310 = arith.constant 0 : i32
    %add3A_311 = arith.addi %add3A_309, %add3A_310 : i32
    %get3A_312 = arith.index_cast %add3A_311 : i32 to index
    %get3A_313 = tpu.vector_load %arg12[%get3A_312] {strides = array<i32>} : memref<272xi32, #tpu.memory_space<vmem>>, vector<16xi32>,
    %get3A_314 = vector.shape_cast %get3A_313 : vector<16xi32> to vector<16xi32>
    %ge3A = arith.constant 1 : i32
    %ge3A_315 = vector.broadcast %ge3A : i32 to vector<16xi32>
    %ge3A_316 = arith.cmpi sge, %add3A_307, %ge3A_315 : vector<16xi32>
    %le3A_317 = vector.broadcast %min3A_48 : i32 to vector<16xi32>
    %le3A_318 = arith.cmpi sle, %add3A_307, %le3A_317 : vector<16xi32>
    %and3A_319 = arith.andi %ge3A_316, %le3A_318 : vector<16xi1>
    %eq3A = arith.constant 0 : i32
    %eq3A_320 = vector.broadcast %eq3A : i32 to vector<16xi32>
    %eq3A_321 = arith.cmpi eq, %add3A_307, %eq3A_320 : vector<16xi32>
    %add3A_322 = arith.constant 1 : i32
    %add3A_323 = arith.addi %min3A_48, %add3A_322 : i32
    %eq3A_324 = vector.broadcast %add3A_323 : i32 to vector<16xi32>
    %eq3A_325 = arith.cmpi eq, %add3A_307, %eq3A_324 : vector<16xi32>
    %jit3A_326 = arith.constant 102 : i32
    %jit3A_327 = arith.constant 0 : i32
    %broadcast_in_dim3A_328 = vector.broadcast %jit3A_326 : i32 to vector<16xi32>
    %broadcast_in_dim3A_329 = vector.broadcast %jit3A_327 : i32 to vector<16xi32>
    %select_n3A_330 = arith.select %eq3A_325, %broadcast_in_dim3A_328, %broadcast_in_dim3A_329 : vector<16xi1>, vector<16xi32>
    %select_n3A_331 = arith.select %and3A_319, %get3A_314, %select_n3A_330 : vector<16xi1>, vector<16xi32>
    %jit3A_332 = arith.constant 101 : i32
    %broadcast_in_dim3A_333 = vector.broadcast %jit3A_332 : i32 to vector<16xi32>
    %select_n3A_334 = arith.select %eq3A_321, %broadcast_in_dim3A_333, %select_n3A_331 : vector<16xi1>, vector<16xi32>
    %swap3A_335 = arith.constant 0 : index
    %swap3A_336 = tpu.vector_load %arg13[%swap3A_335] {strides = array<i32>} : memref<128xi32, #tpu.memory_space<vmem>>, vector<16xi32>,
    %swap3A_337 = vector.shape_cast %swap3A_336 : vector<16xi32> to vector<16xi32>
    %swap3A_338 = vector.shape_cast %select_n3A_334 : vector<16xi32> to vector<16xi32>
    tpu.vector_store %arg13[%swap3A_335], %swap3A_338 {strides = array<i32>} : memref<128xi32, #tpu.memory_space<vmem>>, vector<16xi32>,
    %add3A_339 = arith.constant 16 : i32
    %add3A_340 = vector.broadcast %add3A_339 : i32 to vector<16xi32>
    %add3A_341 = arith.addi %iota3A, %add3A_340 : vector<16xi32>
    %add3A_342 = arith.constant 7 : i32
    %add3A_343 = arith.addi %sub3A_69, %add3A_342 : i32
    %add3A_344 = arith.constant 16 : i32
    %add3A_345 = arith.addi %add3A_343, %add3A_344 : i32
    %get3A_346 = arith.index_cast %add3A_345 : i32 to index
    %get3A_347 = tpu.vector_load %arg12[%get3A_346] {strides = array<i32>} : memref<272xi32, #tpu.memory_space<vmem>>, vector<16xi32>,
    %get3A_348 = vector.shape_cast %get3A_347 : vector<16xi32> to vector<16xi32>
    %ge3A_349 = arith.constant 1 : i32
    %ge3A_350 = vector.broadcast %ge3A_349 : i32 to vector<16xi32>
    %ge3A_351 = arith.cmpi sge, %add3A_341, %ge3A_350 : vector<16xi32>
    %le3A_352 = vector.broadcast %min3A_48 : i32 to vector<16xi32>
    %le3A_353 = arith.cmpi sle, %add3A_341, %le3A_352 : vector<16xi32>
    %and3A_354 = arith.andi %ge3A_351, %le3A_353 : vector<16xi1>
    %eq3A_355 = arith.constant 0 : i32
    %eq3A_356 = vector.broadcast %eq3A_355 : i32 to vector<16xi32>
    %eq3A_357 = arith.cmpi eq, %add3A_341, %eq3A_356 : vector<16xi32>
    %add3A_358 = arith.constant 1 : i32
    %add3A_359 = arith.addi %min3A_48, %add3A_358 : i32
    %eq3A_360 = vector.broadcast %add3A_359 : i32 to vector<16xi32>
    %eq3A_361 = arith.cmpi eq, %add3A_341, %eq3A_360 : vector<16xi32>
    %jit3A_362 = arith.constant 102 : i32
    %jit3A_363 = arith.constant 0 : i32
    %broadcast_in_dim3A_364 = vector.broadcast %jit3A_362 : i32 to vector<16xi32>
    %broadcast_in_dim3A_365 = vector.broadcast %jit3A_363 : i32 to vector<16xi32>
    %select_n3A_366 = arith.select %eq3A_361, %broadcast_in_dim3A_364, %broadcast_in_dim3A_365 : vector<16xi1>, vector<16xi32>
    %select_n3A_367 = arith.select %and3A_354, %get3A_348, %select_n3A_366 : vector<16xi1>, vector<16xi32>
    %jit3A_368 = arith.constant 101 : i32
    %broadcast_in_dim3A_369 = vector.broadcast %jit3A_368 : i32 to vector<16xi32>
    %select_n3A_370 = arith.select %eq3A_357, %broadcast_in_dim3A_369, %select_n3A_367 : vector<16xi1>, vector<16xi32>
    %swap3A_371 = arith.constant 16 : index
    %swap3A_372 = tpu.vector_load %arg13[%swap3A_371] {strides = array<i32>} : memref<128xi32, #tpu.memory_space<vmem>>, vector<16xi32>,
    %swap3A_373 = vector.shape_cast %swap3A_372 : vector<16xi32> to vector<16xi32>
    %swap3A_374 = vector.shape_cast %select_n3A_370 : vector<16xi32> to vector<16xi32>
    tpu.vector_store %arg13[%swap3A_371], %swap3A_374 {strides = array<i32>} : memref<128xi32, #tpu.memory_space<vmem>>, vector<16xi32>,
    %add3A_375 = arith.constant 32 : i32
    %add3A_376 = vector.broadcast %add3A_375 : i32 to vector<16xi32>
    %add3A_377 = arith.addi %iota3A, %add3A_376 : vector<16xi32>
    %add3A_378 = arith.constant 7 : i32
    %add3A_379 = arith.addi %sub3A_69, %add3A_378 : i32
    %add3A_380 = arith.constant 32 : i32
    %add3A_381 = arith.addi %add3A_379, %add3A_380 : i32
    %get3A_382 = arith.index_cast %add3A_381 : i32 to index
    %get3A_383 = tpu.vector_load %arg12[%get3A_382] {strides = array<i32>} : memref<272xi32, #tpu.memory_space<vmem>>, vector<16xi32>,
    %get3A_384 = vector.shape_cast %get3A_383 : vector<16xi32> to vector<16xi32>
    %ge3A_385 = arith.constant 1 : i32
    %ge3A_386 = vector.broadcast %ge3A_385 : i32 to vector<16xi32>
    %ge3A_387 = arith.cmpi sge, %add3A_377, %ge3A_386 : vector<16xi32>
    %le3A_388 = vector.broadcast %min3A_48 : i32 to vector<16xi32>
    %le3A_389 = arith.cmpi sle, %add3A_377, %le3A_388 : vector<16xi32>
    %and3A_390 = arith.andi %ge3A_387, %le3A_389 : vector<16xi1>
    %eq3A_391 = arith.constant 0 : i32
    %eq3A_392 = vector.broadcast %eq3A_391 : i32 to vector<16xi32>
    %eq3A_393 = arith.cmpi eq, %add3A_377, %eq3A_392 : vector<16xi32>
    %add3A_394 = arith.constant 1 : i32
    %add3A_395 = arith.addi %min3A_48, %add3A_394 : i32
    %eq3A_396 = vector.broadcast %add3A_395 : i32 to vector<16xi32>
    %eq3A_397 = arith.cmpi eq, %add3A_377, %eq3A_396 : vector<16xi32>
    %jit3A_398 = arith.constant 102 : i32
    %jit3A_399 = arith.constant 0 : i32
    %broadcast_in_dim3A_400 = vector.broadcast %jit3A_398 : i32 to vector<16xi32>
    %broadcast_in_dim3A_401 = vector.broadcast %jit3A_399 : i32 to vector<16xi32>
    %select_n3A_402 = arith.select %eq3A_397, %broadcast_in_dim3A_400, %broadcast_in_dim3A_401 : vector<16xi1>, vector<16xi32>
    %select_n3A_403 = arith.select %and3A_390, %get3A_384, %select_n3A_402 : vector<16xi1>, vector<16xi32>
    %jit3A_404 = arith.constant 101 : i32
    %broadcast_in_dim3A_405 = vector.broadcast %jit3A_404 : i32 to vector<16xi32>
    %select_n3A_406 = arith.select %eq3A_393, %broadcast_in_dim3A_405, %select_n3A_403 : vector<16xi1>, vector<16xi32>
    %swap3A_407 = arith.constant 32 : index
    %swap3A_408 = tpu.vector_load %arg13[%swap3A_407] {strides = array<i32>} : memref<128xi32, #tpu.memory_space<vmem>>, vector<16xi32>,
    %swap3A_409 = vector.shape_cast %swap3A_408 : vector<16xi32> to vector<16xi32>
    %swap3A_410 = vector.shape_cast %select_n3A_406 : vector<16xi32> to vector<16xi32>
    tpu.vector_store %arg13[%swap3A_407], %swap3A_410 {strides = array<i32>} : memref<128xi32, #tpu.memory_space<vmem>>, vector<16xi32>,
    %add3A_411 = arith.constant 48 : i32
    %add3A_412 = vector.broadcast %add3A_411 : i32 to vector<16xi32>
    %add3A_413 = arith.addi %iota3A, %add3A_412 : vector<16xi32>
    %add3A_414 = arith.constant 7 : i32
    %add3A_415 = arith.addi %sub3A_69, %add3A_414 : i32
    %add3A_416 = arith.constant 48 : i32
    %add3A_417 = arith.addi %add3A_415, %add3A_416 : i32
    %get3A_418 = arith.index_cast %add3A_417 : i32 to index
    %get3A_419 = tpu.vector_load %arg12[%get3A_418] {strides = array<i32>} : memref<272xi32, #tpu.memory_space<vmem>>, vector<16xi32>,
    %get3A_420 = vector.shape_cast %get3A_419 : vector<16xi32> to vector<16xi32>
    %ge3A_421 = arith.constant 1 : i32
    %ge3A_422 = vector.broadcast %ge3A_421 : i32 to vector<16xi32>
    %ge3A_423 = arith.cmpi sge, %add3A_413, %ge3A_422 : vector<16xi32>
    %le3A_424 = vector.broadcast %min3A_48 : i32 to vector<16xi32>
    %le3A_425 = arith.cmpi sle, %add3A_413, %le3A_424 : vector<16xi32>
    %and3A_426 = arith.andi %ge3A_423, %le3A_425 : vector<16xi1>
    %eq3A_427 = arith.constant 0 : i32
    %eq3A_428 = vector.broadcast %eq3A_427 : i32 to vector<16xi32>
    %eq3A_429 = arith.cmpi eq, %add3A_413, %eq3A_428 : vector<16xi32>
    %add3A_430 = arith.constant 1 : i32
    %add3A_431 = arith.addi %min3A_48, %add3A_430 : i32
    %eq3A_432 = vector.broadcast %add3A_431 : i32 to vector<16xi32>
    %eq3A_433 = arith.cmpi eq, %add3A_413, %eq3A_432 : vector<16xi32>
    %jit3A_434 = arith.constant 102 : i32
    %jit3A_435 = arith.constant 0 : i32
    %broadcast_in_dim3A_436 = vector.broadcast %jit3A_434 : i32 to vector<16xi32>
    %broadcast_in_dim3A_437 = vector.broadcast %jit3A_435 : i32 to vector<16xi32>
    %select_n3A_438 = arith.select %eq3A_433, %broadcast_in_dim3A_436, %broadcast_in_dim3A_437 : vector<16xi1>, vector<16xi32>
    %select_n3A_439 = arith.select %and3A_426, %get3A_420, %select_n3A_438 : vector<16xi1>, vector<16xi32>
    %jit3A_440 = arith.constant 101 : i32
    %broadcast_in_dim3A_441 = vector.broadcast %jit3A_440 : i32 to vector<16xi32>
    %select_n3A_442 = arith.select %eq3A_429, %broadcast_in_dim3A_441, %select_n3A_439 : vector<16xi1>, vector<16xi32>
    %swap3A_443 = arith.constant 48 : index
    %swap3A_444 = tpu.vector_load %arg13[%swap3A_443] {strides = array<i32>} : memref<128xi32, #tpu.memory_space<vmem>>, vector<16xi32>,
    %swap3A_445 = vector.shape_cast %swap3A_444 : vector<16xi32> to vector<16xi32>
    %swap3A_446 = vector.shape_cast %select_n3A_442 : vector<16xi32> to vector<16xi32>
    tpu.vector_store %arg13[%swap3A_443], %swap3A_446 {strides = array<i32>} : memref<128xi32, #tpu.memory_space<vmem>>, vector<16xi32>,
    %add3A_447 = arith.constant 64 : i32
    %add3A_448 = vector.broadcast %add3A_447 : i32 to vector<16xi32>
    %add3A_449 = arith.addi %iota3A, %add3A_448 : vector<16xi32>
    %add3A_450 = arith.constant 7 : i32
    %add3A_451 = arith.addi %sub3A_69, %add3A_450 : i32
    %add3A_452 = arith.constant 64 : i32
    %add3A_453 = arith.addi %add3A_451, %add3A_452 : i32
    %get3A_454 = arith.index_cast %add3A_453 : i32 to index
    %get3A_455 = tpu.vector_load %arg12[%get3A_454] {strides = array<i32>} : memref<272xi32, #tpu.memory_space<vmem>>, vector<16xi32>,
    %get3A_456 = vector.shape_cast %get3A_455 : vector<16xi32> to vector<16xi32>
    %ge3A_457 = arith.constant 1 : i32
    %ge3A_458 = vector.broadcast %ge3A_457 : i32 to vector<16xi32>
    %ge3A_459 = arith.cmpi sge, %add3A_449, %ge3A_458 : vector<16xi32>
    %le3A_460 = vector.broadcast %min3A_48 : i32 to vector<16xi32>
    %le3A_461 = arith.cmpi sle, %add3A_449, %le3A_460 : vector<16xi32>
    %and3A_462 = arith.andi %ge3A_459, %le3A_461 : vector<16xi1>
    %eq3A_463 = arith.constant 0 : i32
    %eq3A_464 = vector.broadcast %eq3A_463 : i32 to vector<16xi32>
    %eq3A_465 = arith.cmpi eq, %add3A_449, %eq3A_464 : vector<16xi32>
    %add3A_466 = arith.constant 1 : i32
    %add3A_467 = arith.addi %min3A_48, %add3A_466 : i32
    %eq3A_468 = vector.broadcast %add3A_467 : i32 to vector<16xi32>
    %eq3A_469 = arith.cmpi eq, %add3A_449, %eq3A_468 : vector<16xi32>
    %jit3A_470 = arith.constant 102 : i32
    %jit3A_471 = arith.constant 0 : i32
    %broadcast_in_dim3A_472 = vector.broadcast %jit3A_470 : i32 to vector<16xi32>
    %broadcast_in_dim3A_473 = vector.broadcast %jit3A_471 : i32 to vector<16xi32>
    %select_n3A_474 = arith.select %eq3A_469, %broadcast_in_dim3A_472, %broadcast_in_dim3A_473 : vector<16xi1>, vector<16xi32>
    %select_n3A_475 = arith.select %and3A_462, %get3A_456, %select_n3A_474 : vector<16xi1>, vector<16xi32>
    %jit3A_476 = arith.constant 101 : i32
    %broadcast_in_dim3A_477 = vector.broadcast %jit3A_476 : i32 to vector<16xi32>
    %select_n3A_478 = arith.select %eq3A_465, %broadcast_in_dim3A_477, %select_n3A_475 : vector<16xi1>, vector<16xi32>
    %swap3A_479 = arith.constant 64 : index
    %swap3A_480 = tpu.vector_load %arg13[%swap3A_479] {strides = array<i32>} : memref<128xi32, #tpu.memory_space<vmem>>, vector<16xi32>,
    %swap3A_481 = vector.shape_cast %swap3A_480 : vector<16xi32> to vector<16xi32>
    %swap3A_482 = vector.shape_cast %select_n3A_478 : vector<16xi32> to vector<16xi32>
    tpu.vector_store %arg13[%swap3A_479], %swap3A_482 {strides = array<i32>} : memref<128xi32, #tpu.memory_space<vmem>>, vector<16xi32>,
    %add3A_483 = arith.constant 80 : i32
    %add3A_484 = vector.broadcast %add3A_483 : i32 to vector<16xi32>
    %add3A_485 = arith.addi %iota3A, %add3A_484 : vector<16xi32>
    %add3A_486 = arith.constant 7 : i32
    %add3A_487 = arith.addi %sub3A_69, %add3A_486 : i32
    %add3A_488 = arith.constant 80 : i32
    %add3A_489 = arith.addi %add3A_487, %add3A_488 : i32
    %get3A_490 = arith.index_cast %add3A_489 : i32 to index
    %get3A_491 = tpu.vector_load %arg12[%get3A_490] {strides = array<i32>} : memref<272xi32, #tpu.memory_space<vmem>>, vector<16xi32>,
    %get3A_492 = vector.shape_cast %get3A_491 : vector<16xi32> to vector<16xi32>
    %ge3A_493 = arith.constant 1 : i32
    %ge3A_494 = vector.broadcast %ge3A_493 : i32 to vector<16xi32>
    %ge3A_495 = arith.cmpi sge, %add3A_485, %ge3A_494 : vector<16xi32>
    %le3A_496 = vector.broadcast %min3A_48 : i32 to vector<16xi32>
    %le3A_497 = arith.cmpi sle, %add3A_485, %le3A_496 : vector<16xi32>
    %and3A_498 = arith.andi %ge3A_495, %le3A_497 : vector<16xi1>
    %eq3A_499 = arith.constant 0 : i32
    %eq3A_500 = vector.broadcast %eq3A_499 : i32 to vector<16xi32>
    %eq3A_501 = arith.cmpi eq, %add3A_485, %eq3A_500 : vector<16xi32>
    %add3A_502 = arith.constant 1 : i32
    %add3A_503 = arith.addi %min3A_48, %add3A_502 : i32
    %eq3A_504 = vector.broadcast %add3A_503 : i32 to vector<16xi32>
    %eq3A_505 = arith.cmpi eq, %add3A_485, %eq3A_504 : vector<16xi32>
    %jit3A_506 = arith.constant 102 : i32
    %jit3A_507 = arith.constant 0 : i32
    %broadcast_in_dim3A_508 = vector.broadcast %jit3A_506 : i32 to vector<16xi32>
    %broadcast_in_dim3A_509 = vector.broadcast %jit3A_507 : i32 to vector<16xi32>
    %select_n3A_510 = arith.select %eq3A_505, %broadcast_in_dim3A_508, %broadcast_in_dim3A_509 : vector<16xi1>, vector<16xi32>
    %select_n3A_511 = arith.select %and3A_498, %get3A_492, %select_n3A_510 : vector<16xi1>, vector<16xi32>
    %jit3A_512 = arith.constant 101 : i32
    %broadcast_in_dim3A_513 = vector.broadcast %jit3A_512 : i32 to vector<16xi32>
    %select_n3A_514 = arith.select %eq3A_501, %broadcast_in_dim3A_513, %select_n3A_511 : vector<16xi1>, vector<16xi32>
    %swap3A_515 = arith.constant 80 : index
    %swap3A_516 = tpu.vector_load %arg13[%swap3A_515] {strides = array<i32>} : memref<128xi32, #tpu.memory_space<vmem>>, vector<16xi32>,
    %swap3A_517 = vector.shape_cast %swap3A_516 : vector<16xi32> to vector<16xi32>
    %swap3A_518 = vector.shape_cast %select_n3A_514 : vector<16xi32> to vector<16xi32>
    tpu.vector_store %arg13[%swap3A_515], %swap3A_518 {strides = array<i32>} : memref<128xi32, #tpu.memory_space<vmem>>, vector<16xi32>,
    %add3A_519 = arith.constant 96 : i32
    %add3A_520 = vector.broadcast %add3A_519 : i32 to vector<16xi32>
    %add3A_521 = arith.addi %iota3A, %add3A_520 : vector<16xi32>
    %add3A_522 = arith.constant 7 : i32
    %add3A_523 = arith.addi %sub3A_69, %add3A_522 : i32
    %add3A_524 = arith.constant 96 : i32
    %add3A_525 = arith.addi %add3A_523, %add3A_524 : i32
    %get3A_526 = arith.index_cast %add3A_525 : i32 to index
    %get3A_527 = tpu.vector_load %arg12[%get3A_526] {strides = array<i32>} : memref<272xi32, #tpu.memory_space<vmem>>, vector<16xi32>,
    %get3A_528 = vector.shape_cast %get3A_527 : vector<16xi32> to vector<16xi32>
    %ge3A_529 = arith.constant 1 : i32
    %ge3A_530 = vector.broadcast %ge3A_529 : i32 to vector<16xi32>
    %ge3A_531 = arith.cmpi sge, %add3A_521, %ge3A_530 : vector<16xi32>
    %le3A_532 = vector.broadcast %min3A_48 : i32 to vector<16xi32>
    %le3A_533 = arith.cmpi sle, %add3A_521, %le3A_532 : vector<16xi32>
    %and3A_534 = arith.andi %ge3A_531, %le3A_533 : vector<16xi1>
    %eq3A_535 = arith.constant 0 : i32
    %eq3A_536 = vector.broadcast %eq3A_535 : i32 to vector<16xi32>
    %eq3A_537 = arith.cmpi eq, %add3A_521, %eq3A_536 : vector<16xi32>
    %add3A_538 = arith.constant 1 : i32
    %add3A_539 = arith.addi %min3A_48, %add3A_538 : i32
    %eq3A_540 = vector.broadcast %add3A_539 : i32 to vector<16xi32>
    %eq3A_541 = arith.cmpi eq, %add3A_521, %eq3A_540 : vector<16xi32>
    %jit3A_542 = arith.constant 102 : i32
    %jit3A_543 = arith.constant 0 : i32
    %broadcast_in_dim3A_544 = vector.broadcast %jit3A_542 : i32 to vector<16xi32>
    %broadcast_in_dim3A_545 = vector.broadcast %jit3A_543 : i32 to vector<16xi32>
    %select_n3A_546 = arith.select %eq3A_541, %broadcast_in_dim3A_544, %broadcast_in_dim3A_545 : vector<16xi1>, vector<16xi32>
    %select_n3A_547 = arith.select %and3A_534, %get3A_528, %select_n3A_546 : vector<16xi1>, vector<16xi32>
    %jit3A_548 = arith.constant 101 : i32
    %broadcast_in_dim3A_549 = vector.broadcast %jit3A_548 : i32 to vector<16xi32>
    %select_n3A_550 = arith.select %eq3A_537, %broadcast_in_dim3A_549, %select_n3A_547 : vector<16xi1>, vector<16xi32>
    %swap3A_551 = arith.constant 96 : index
    %swap3A_552 = tpu.vector_load %arg13[%swap3A_551] {strides = array<i32>} : memref<128xi32, #tpu.memory_space<vmem>>, vector<16xi32>,
    %swap3A_553 = vector.shape_cast %swap3A_552 : vector<16xi32> to vector<16xi32>
    %swap3A_554 = vector.shape_cast %select_n3A_550 : vector<16xi32> to vector<16xi32>
    tpu.vector_store %arg13[%swap3A_551], %swap3A_554 {strides = array<i32>} : memref<128xi32, #tpu.memory_space<vmem>>, vector<16xi32>,
    %add3A_555 = arith.constant 112 : i32
    %add3A_556 = vector.broadcast %add3A_555 : i32 to vector<16xi32>
    %add3A_557 = arith.addi %iota3A, %add3A_556 : vector<16xi32>
    %add3A_558 = arith.constant 7 : i32
    %add3A_559 = arith.addi %sub3A_69, %add3A_558 : i32
    %add3A_560 = arith.constant 112 : i32
    %add3A_561 = arith.addi %add3A_559, %add3A_560 : i32
    %get3A_562 = arith.index_cast %add3A_561 : i32 to index
    %get3A_563 = tpu.vector_load %arg12[%get3A_562] {strides = array<i32>} : memref<272xi32, #tpu.memory_space<vmem>>, vector<16xi32>,
    %get3A_564 = vector.shape_cast %get3A_563 : vector<16xi32> to vector<16xi32>
    %ge3A_565 = arith.constant 1 : i32
    %ge3A_566 = vector.broadcast %ge3A_565 : i32 to vector<16xi32>
    %ge3A_567 = arith.cmpi sge, %add3A_557, %ge3A_566 : vector<16xi32>
    %le3A_568 = vector.broadcast %min3A_48 : i32 to vector<16xi32>
    %le3A_569 = arith.cmpi sle, %add3A_557, %le3A_568 : vector<16xi32>
    %and3A_570 = arith.andi %ge3A_567, %le3A_569 : vector<16xi1>
    %eq3A_571 = arith.constant 0 : i32
    %eq3A_572 = vector.broadcast %eq3A_571 : i32 to vector<16xi32>
    %eq3A_573 = arith.cmpi eq, %add3A_557, %eq3A_572 : vector<16xi32>
    %add3A_574 = arith.constant 1 : i32
    %add3A_575 = arith.addi %min3A_48, %add3A_574 : i32
    %eq3A_576 = vector.broadcast %add3A_575 : i32 to vector<16xi32>
    %eq3A_577 = arith.cmpi eq, %add3A_557, %eq3A_576 : vector<16xi32>
    %jit3A_578 = arith.constant 102 : i32
    %jit3A_579 = arith.constant 0 : i32
    %broadcast_in_dim3A_580 = vector.broadcast %jit3A_578 : i32 to vector<16xi32>
    %broadcast_in_dim3A_581 = vector.broadcast %jit3A_579 : i32 to vector<16xi32>
    %select_n3A_582 = arith.select %eq3A_577, %broadcast_in_dim3A_580, %broadcast_in_dim3A_581 : vector<16xi1>, vector<16xi32>
    %select_n3A_583 = arith.select %and3A_570, %get3A_564, %select_n3A_582 : vector<16xi1>, vector<16xi32>
    %jit3A_584 = arith.constant 101 : i32
    %broadcast_in_dim3A_585 = vector.broadcast %jit3A_584 : i32 to vector<16xi32>
    %select_n3A_586 = arith.select %eq3A_573, %broadcast_in_dim3A_585, %select_n3A_583 : vector<16xi1>, vector<16xi32>
    %swap3A_587 = arith.constant 112 : index
    %swap3A_588 = tpu.vector_load %arg13[%swap3A_587] {strides = array<i32>} : memref<128xi32, #tpu.memory_space<vmem>>, vector<16xi32>,
    %swap3A_589 = vector.shape_cast %swap3A_588 : vector<16xi32> to vector<16xi32>
    %swap3A_590 = vector.shape_cast %select_n3A_586 : vector<16xi32> to vector<16xi32>
    tpu.vector_store %arg13[%swap3A_587], %swap3A_590 {strides = array<i32>} : memref<128xi32, #tpu.memory_space<vmem>>, vector<16xi32>,
    %dma_start3A_591 = arith.constant 0 : i32
    %dma_start3A_592 = tpu.memref_slice %arg5[%arg1, %dma_start3A_591] : memref<16x128xi32, #tpu.memory_space<hbm>> -> memref<1x128xi32, #tpu.memory_space<hbm>>
    %dma_start3A_593 = tpu.memref_squeeze %dma_start3A_592 : memref<1x128xi32, #tpu.memory_space<hbm>> -> memref<128xi32, #tpu.memory_space<hbm>>
    %dma_start3A_594 = arith.constant 0 : i32
    %dma_start3A_595 = tpu.memref_slice %arg5[%arg1, %dma_start3A_594] : memref<16x128xi32, #tpu.memory_space<hbm>> -> memref<1x128xi32, #tpu.memory_space<hbm>>
    %dma_start3A_596 = tpu.memref_squeeze %dma_start3A_595 : memref<1x128xi32, #tpu.memory_space<hbm>> -> memref<128xi32, #tpu.memory_space<hbm>>
    tpu.enqueue_dma source(%arg13 : memref<128xi32, #tpu.memory_space<vmem>>) target(%dma_start3A_596 : memref<128xi32, #tpu.memory_space<hbm>>) target_semaphore(%arg19 : memref<!tpu.dma_semaphore, #tpu.memory_space<semaphore_mem>>)
    %broadcast_in_dim3A_597 = arith.constant 0.000000e+00 : f32
    %broadcast_in_dim3A_598 = vector.broadcast %broadcast_in_dim3A_597 : f32 to vector<16xf32>
    %add3A_599 = arith.constant 1 : i32
    %add3A_600 = arith.addi %min3A_48, %add3A_599 : i32
    %dma_wait3A_601 = arith.constant 8 : i32
    %dma_wait3A_602 = arith.constant 0 : i32
    %dma_wait3A_603 = tpu.memref_slice %arg10[%dma_wait3A_601, %dma_wait3A_602] : memref<208x128xf32, #tpu.memory_space<vmem>> -> memref<72x128xf32, #tpu.memory_space<vmem>>
    %dma_wait3A_604 = arith.constant 0 : i32
    %dma_wait3A_605 = tpu.memref_slice %arg4[%multiple_of3A_108, %dma_wait3A_604] : memref<4096x128xf32, #tpu.memory_space<hbm>> -> memref<72x128xf32, #tpu.memory_space<hbm>>
    %dma_wait3A_606 = arith.constant 8 : i32
    %dma_wait3A_607 = arith.constant 0 : i32
    %dma_wait3A_608 = tpu.memref_slice %arg10[%dma_wait3A_606, %dma_wait3A_607] : memref<208x128xf32, #tpu.memory_space<vmem>> -> memref<72x128xf32, #tpu.memory_space<vmem>>
    %dma_wait3A_609 = arith.constant 0 : i32
    %dma_wait3A_610 = tpu.memref_slice %arg4[%multiple_of3A_108, %dma_wait3A_609] : memref<4096x128xf32, #tpu.memory_space<hbm>> -> memref<72x128xf32, #tpu.memory_space<hbm>>
    tpu.wait_dma2 semaphore(%arg16 : memref<!tpu.dma_semaphore, #tpu.memory_space<semaphore_mem>>) src(%dma_wait3A_610 : memref<72x128xf32, #tpu.memory_space<hbm>>) dst(%dma_wait3A_608 : memref<72x128xf32, #tpu.memory_space<vmem>>)
    %add3A_611 = arith.constant 8 : i32
    %add3A_612 = arith.addi %add3A_611, %sub3A_109 : i32
    %swap3A_613 = arith.index_cast %add3A_612 : i32 to index
    %swap3A_614 = arith.constant 0 : index
    %swap3A_615 = tpu.vector_load %arg10[%swap3A_613, %swap3A_614] {strides = array<i32>} : memref<208x128xf32, #tpu.memory_space<vmem>>, vector<1x16xf32>,
    %swap3A_616 = vector.shape_cast %swap3A_615 : vector<1x16xf32> to vector<16xf32>
    %swap3A_617 = vector.shape_cast %broadcast_in_dim3A_598 : vector<16xf32> to vector<1x16xf32>
    tpu.vector_store %arg10[%swap3A_613, %swap3A_614], %swap3A_617 {strides = array<i32>} : memref<208x128xf32, #tpu.memory_space<vmem>>, vector<1x16xf32>,
    %swap3A_618 = arith.index_cast %add3A_612 : i32 to index
    %swap3A_619 = arith.constant 16 : index
    %swap3A_620 = tpu.vector_load %arg10[%swap3A_618, %swap3A_619] {strides = array<i32>} : memref<208x128xf32, #tpu.memory_space<vmem>>, vector<1x16xf32>,
    %swap3A_621 = vector.shape_cast %swap3A_620 : vector<1x16xf32> to vector<16xf32>
    %swap3A_622 = vector.shape_cast %broadcast_in_dim3A_598 : vector<16xf32> to vector<1x16xf32>
    tpu.vector_store %arg10[%swap3A_618, %swap3A_619], %swap3A_622 {strides = array<i32>} : memref<208x128xf32, #tpu.memory_space<vmem>>, vector<1x16xf32>,
    %swap3A_623 = arith.index_cast %add3A_612 : i32 to index
    %swap3A_624 = arith.constant 32 : index
    %swap3A_625 = tpu.vector_load %arg10[%swap3A_623, %swap3A_624] {strides = array<i32>} : memref<208x128xf32, #tpu.memory_space<vmem>>, vector<1x16xf32>,
    %swap3A_626 = vector.shape_cast %swap3A_625 : vector<1x16xf32> to vector<16xf32>
    %swap3A_627 = vector.shape_cast %broadcast_in_dim3A_598 : vector<16xf32> to vector<1x16xf32>
    tpu.vector_store %arg10[%swap3A_623, %swap3A_624], %swap3A_627 {strides = array<i32>} : memref<208x128xf32, #tpu.memory_space<vmem>>, vector<1x16xf32>,
    %swap3A_628 = arith.index_cast %add3A_612 : i32 to index
    %swap3A_629 = arith.constant 48 : index
    %swap3A_630 = tpu.vector_load %arg10[%swap3A_628, %swap3A_629] {strides = array<i32>} : memref<208x128xf32, #tpu.memory_space<vmem>>, vector<1x16xf32>,
    %swap3A_631 = vector.shape_cast %swap3A_630 : vector<1x16xf32> to vector<16xf32>
    %swap3A_632 = vector.shape_cast %broadcast_in_dim3A_598 : vector<16xf32> to vector<1x16xf32>
    tpu.vector_store %arg10[%swap3A_628, %swap3A_629], %swap3A_632 {strides = array<i32>} : memref<208x128xf32, #tpu.memory_space<vmem>>, vector<1x16xf32>,
    %swap3A_633 = arith.index_cast %add3A_612 : i32 to index
    %swap3A_634 = arith.constant 64 : index
    %swap3A_635 = tpu.vector_load %arg10[%swap3A_633, %swap3A_634] {strides = array<i32>} : memref<208x128xf32, #tpu.memory_space<vmem>>, vector<1x16xf32>,
    %swap3A_636 = vector.shape_cast %swap3A_635 : vector<1x16xf32> to vector<16xf32>
    %swap3A_637 = vector.shape_cast %broadcast_in_dim3A_598 : vector<16xf32> to vector<1x16xf32>
    tpu.vector_store %arg10[%swap3A_633, %swap3A_634], %swap3A_637 {strides = array<i32>} : memref<208x128xf32, #tpu.memory_space<vmem>>, vector<1x16xf32>,
    %swap3A_638 = arith.index_cast %add3A_612 : i32 to index
    %swap3A_639 = arith.constant 80 : index
    %swap3A_640 = tpu.vector_load %arg10[%swap3A_638, %swap3A_639] {strides = array<i32>} : memref<208x128xf32, #tpu.memory_space<vmem>>, vector<1x16xf32>,
    %swap3A_641 = vector.shape_cast %swap3A_640 : vector<1x16xf32> to vector<16xf32>
    %swap3A_642 = vector.shape_cast %broadcast_in_dim3A_598 : vector<16xf32> to vector<1x16xf32>
    tpu.vector_store %arg10[%swap3A_638, %swap3A_639], %swap3A_642 {strides = array<i32>} : memref<208x128xf32, #tpu.memory_space<vmem>>, vector<1x16xf32>,
    %swap3A_643 = arith.index_cast %add3A_612 : i32 to index
    %swap3A_644 = arith.constant 96 : index
    %swap3A_645 = tpu.vector_load %arg10[%swap3A_643, %swap3A_644] {strides = array<i32>} : memref<208x128xf32, #tpu.memory_space<vmem>>, vector<1x16xf32>,
    %swap3A_646 = vector.shape_cast %swap3A_645 : vector<1x16xf32> to vector<16xf32>
    %swap3A_647 = vector.shape_cast %broadcast_in_dim3A_598 : vector<16xf32> to vector<1x16xf32>
    tpu.vector_store %arg10[%swap3A_643, %swap3A_644], %swap3A_647 {strides = array<i32>} : memref<208x128xf32, #tpu.memory_space<vmem>>, vector<1x16xf32>,
    %swap3A_648 = arith.index_cast %add3A_612 : i32 to index
    %swap3A_649 = arith.constant 112 : index
    %swap3A_650 = tpu.vector_load %arg10[%swap3A_648, %swap3A_649] {strides = array<i32>} : memref<208x128xf32, #tpu.memory_space<vmem>>, vector<1x16xf32>,
    %swap3A_651 = vector.shape_cast %swap3A_650 : vector<1x16xf32> to vector<16xf32>
    %swap3A_652 = vector.shape_cast %broadcast_in_dim3A_598 : vector<16xf32> to vector<1x16xf32>
    tpu.vector_store %arg10[%swap3A_648, %swap3A_649], %swap3A_652 {strides = array<i32>} : memref<208x128xf32, #tpu.memory_space<vmem>>, vector<1x16xf32>,
    %min3A_653 = arith.constant 64 : i32
    %min3A_654 = arith.minsi %add3A_600, %min3A_653 : i32
    %add3A_655 = arith.addi %min3A_654, %add3A_612 : i32
    %add3A_656 = arith.constant 64 : i32
    %add3A_657 = arith.addi %add3A_656, %add3A_612 : i32
    %while3A = arith.constant 0 : i32
    %while3A_658 = arith.subi %add3A_657, %add3A_655 : i32
    %while3A_659 = arith.addi %add3A_655, %while3A_658 : i32
    %while3A_660 = arith.constant 1 : i32
    %while3A_661 = arith.divsi %while3A_658, %while3A_660 : i32
    %while3A_662 = arith.muli %while3A_661, %while3A_660 : i32
    %while3A_663 = arith.addi %add3A_655, %while3A_662 : i32
    %while3A_664 = arith.constant 1 : i32
    scf.for %while3A_762 = %add3A_655 to %while3A_663 step %while3A_664  : i32 {
      %swap3A_763 = arith.index_cast %while3A_762 : i32 to index
      %swap3A_764 = arith.constant 0 : index
      %swap3A_765 = tpu.vector_load %arg10[%swap3A_763, %swap3A_764] {strides = array<i32>} : memref<208x128xf32, #tpu.memory_space<vmem>>, vector<1x16xf32>,
      %swap3A_766 = vector.shape_cast %swap3A_765 : vector<1x16xf32> to vector<16xf32>
      %swap3A_767 = vector.shape_cast %broadcast_in_dim3A_598 : vector<16xf32> to vector<1x16xf32>
      tpu.vector_store %arg10[%swap3A_763, %swap3A_764], %swap3A_767 {strides = array<i32>} : memref<208x128xf32, #tpu.memory_space<vmem>>, vector<1x16xf32>,
      %swap3A_768 = arith.index_cast %while3A_762 : i32 to index
      %swap3A_769 = arith.constant 16 : index
      %swap3A_770 = tpu.vector_load %arg10[%swap3A_768, %swap3A_769] {strides = array<i32>} : memref<208x128xf32, #tpu.memory_space<vmem>>, vector<1x16xf32>,
      %swap3A_771 = vector.shape_cast %swap3A_770 : vector<1x16xf32> to vector<16xf32>
      %swap3A_772 = vector.shape_cast %broadcast_in_dim3A_598 : vector<16xf32> to vector<1x16xf32>
      tpu.vector_store %arg10[%swap3A_768, %swap3A_769], %swap3A_772 {strides = array<i32>} : memref<208x128xf32, #tpu.memory_space<vmem>>, vector<1x16xf32>,
      %swap3A_773 = arith.index_cast %while3A_762 : i32 to index
      %swap3A_774 = arith.constant 32 : index
      %swap3A_775 = tpu.vector_load %arg10[%swap3A_773, %swap3A_774] {strides = array<i32>} : memref<208x128xf32, #tpu.memory_space<vmem>>, vector<1x16xf32>,
      %swap3A_776 = vector.shape_cast %swap3A_775 : vector<1x16xf32> to vector<16xf32>
      %swap3A_777 = vector.shape_cast %broadcast_in_dim3A_598 : vector<16xf32> to vector<1x16xf32>
      tpu.vector_store %arg10[%swap3A_773, %swap3A_774], %swap3A_777 {strides = array<i32>} : memref<208x128xf32, #tpu.memory_space<vmem>>, vector<1x16xf32>,
      %swap3A_778 = arith.index_cast %while3A_762 : i32 to index
      %swap3A_779 = arith.constant 48 : index
      %swap3A_780 = tpu.vector_load %arg10[%swap3A_778, %swap3A_779] {strides = array<i32>} : memref<208x128xf32, #tpu.memory_space<vmem>>, vector<1x16xf32>,
      %swap3A_781 = vector.shape_cast %swap3A_780 : vector<1x16xf32> to vector<16xf32>
      %swap3A_782 = vector.shape_cast %broadcast_in_dim3A_598 : vector<16xf32> to vector<1x16xf32>
      tpu.vector_store %arg10[%swap3A_778, %swap3A_779], %swap3A_782 {strides = array<i32>} : memref<208x128xf32, #tpu.memory_space<vmem>>, vector<1x16xf32>,
      %swap3A_783 = arith.index_cast %while3A_762 : i32 to index
      %swap3A_784 = arith.constant 64 : index
      %swap3A_785 = tpu.vector_load %arg10[%swap3A_783, %swap3A_784] {strides = array<i32>} : memref<208x128xf32, #tpu.memory_space<vmem>>, vector<1x16xf32>,
      %swap3A_786 = vector.shape_cast %swap3A_785 : vector<1x16xf32> to vector<16xf32>
      %swap3A_787 = vector.shape_cast %broadcast_in_dim3A_598 : vector<16xf32> to vector<1x16xf32>
      tpu.vector_store %arg10[%swap3A_783, %swap3A_784], %swap3A_787 {strides = array<i32>} : memref<208x128xf32, #tpu.memory_space<vmem>>, vector<1x16xf32>,
      %swap3A_788 = arith.index_cast %while3A_762 : i32 to index
      %swap3A_789 = arith.constant 80 : index
      %swap3A_790 = tpu.vector_load %arg10[%swap3A_788, %swap3A_789] {strides = array<i32>} : memref<208x128xf32, #tpu.memory_space<vmem>>, vector<1x16xf32>,
      %swap3A_791 = vector.shape_cast %swap3A_790 : vector<1x16xf32> to vector<16xf32>
      %swap3A_792 = vector.shape_cast %broadcast_in_dim3A_598 : vector<16xf32> to vector<1x16xf32>
      tpu.vector_store %arg10[%swap3A_788, %swap3A_789], %swap3A_792 {strides = array<i32>} : memref<208x128xf32, #tpu.memory_space<vmem>>, vector<1x16xf32>,
      %swap3A_793 = arith.index_cast %while3A_762 : i32 to index
      %swap3A_794 = arith.constant 96 : index
      %swap3A_795 = tpu.vector_load %arg10[%swap3A_793, %swap3A_794] {strides = array<i32>} : memref<208x128xf32, #tpu.memory_space<vmem>>, vector<1x16xf32>,
      %swap3A_796 = vector.shape_cast %swap3A_795 : vector<1x16xf32> to vector<16xf32>
      %swap3A_797 = vector.shape_cast %broadcast_in_dim3A_598 : vector<16xf32> to vector<1x16xf32>
      tpu.vector_store %arg10[%swap3A_793, %swap3A_794], %swap3A_797 {strides = array<i32>} : memref<208x128xf32, #tpu.memory_space<vmem>>, vector<1x16xf32>,
      %swap3A_798 = arith.index_cast %while3A_762 : i32 to index
      %swap3A_799 = arith.constant 112 : index
      %swap3A_800 = tpu.vector_load %arg10[%swap3A_798, %swap3A_799] {strides = array<i32>} : memref<208x128xf32, #tpu.memory_space<vmem>>, vector<1x16xf32>,
      %swap3A_801 = vector.shape_cast %swap3A_800 : vector<1x16xf32> to vector<16xf32>
      %swap3A_802 = vector.shape_cast %broadcast_in_dim3A_598 : vector<16xf32> to vector<1x16xf32>
      tpu.vector_store %arg10[%swap3A_798, %swap3A_799], %swap3A_802 {strides = array<i32>} : memref<208x128xf32, #tpu.memory_space<vmem>>, vector<1x16xf32>,
    }
    %while3A_665 = arith.constant 1 : i32
    scf.for %while3A_762 = %while3A_663 to %while3A_659 step %while3A_665  : i32 {
      %swap3A_763 = arith.index_cast %while3A_762 : i32 to index
      %swap3A_764 = arith.constant 0 : index
      %swap3A_765 = tpu.vector_load %arg10[%swap3A_763, %swap3A_764] {strides = array<i32>} : memref<208x128xf32, #tpu.memory_space<vmem>>, vector<1x16xf32>,
      %swap3A_766 = vector.shape_cast %swap3A_765 : vector<1x16xf32> to vector<16xf32>
      %swap3A_767 = vector.shape_cast %broadcast_in_dim3A_598 : vector<16xf32> to vector<1x16xf32>
      tpu.vector_store %arg10[%swap3A_763, %swap3A_764], %swap3A_767 {strides = array<i32>} : memref<208x128xf32, #tpu.memory_space<vmem>>, vector<1x16xf32>,
      %swap3A_768 = arith.index_cast %while3A_762 : i32 to index
      %swap3A_769 = arith.constant 16 : index
      %swap3A_770 = tpu.vector_load %arg10[%swap3A_768, %swap3A_769] {strides = array<i32>} : memref<208x128xf32, #tpu.memory_space<vmem>>, vector<1x16xf32>,
      %swap3A_771 = vector.shape_cast %swap3A_770 : vector<1x16xf32> to vector<16xf32>
      %swap3A_772 = vector.shape_cast %broadcast_in_dim3A_598 : vector<16xf32> to vector<1x16xf32>
      tpu.vector_store %arg10[%swap3A_768, %swap3A_769], %swap3A_772 {strides = array<i32>} : memref<208x128xf32, #tpu.memory_space<vmem>>, vector<1x16xf32>,
      %swap3A_773 = arith.index_cast %while3A_762 : i32 to index
      %swap3A_774 = arith.constant 32 : index
      %swap3A_775 = tpu.vector_load %arg10[%swap3A_773, %swap3A_774] {strides = array<i32>} : memref<208x128xf32, #tpu.memory_space<vmem>>, vector<1x16xf32>,
      %swap3A_776 = vector.shape_cast %swap3A_775 : vector<1x16xf32> to vector<16xf32>
      %swap3A_777 = vector.shape_cast %broadcast_in_dim3A_598 : vector<16xf32> to vector<1x16xf32>
      tpu.vector_store %arg10[%swap3A_773, %swap3A_774], %swap3A_777 {strides = array<i32>} : memref<208x128xf32, #tpu.memory_space<vmem>>, vector<1x16xf32>,
      %swap3A_778 = arith.index_cast %while3A_762 : i32 to index
      %swap3A_779 = arith.constant 48 : index
      %swap3A_780 = tpu.vector_load %arg10[%swap3A_778, %swap3A_779] {strides = array<i32>} : memref<208x128xf32, #tpu.memory_space<vmem>>, vector<1x16xf32>,
      %swap3A_781 = vector.shape_cast %swap3A_780 : vector<1x16xf32> to vector<16xf32>
      %swap3A_782 = vector.shape_cast %broadcast_in_dim3A_598 : vector<16xf32> to vector<1x16xf32>
      tpu.vector_store %arg10[%swap3A_778, %swap3A_779], %swap3A_782 {strides = array<i32>} : memref<208x128xf32, #tpu.memory_space<vmem>>, vector<1x16xf32>,
      %swap3A_783 = arith.index_cast %while3A_762 : i32 to index
      %swap3A_784 = arith.constant 64 : index
      %swap3A_785 = tpu.vector_load %arg10[%swap3A_783, %swap3A_784] {strides = array<i32>} : memref<208x128xf32, #tpu.memory_space<vmem>>, vector<1x16xf32>,
      %swap3A_786 = vector.shape_cast %swap3A_785 : vector<1x16xf32> to vector<16xf32>
      %swap3A_787 = vector.shape_cast %broadcast_in_dim3A_598 : vector<16xf32> to vector<1x16xf32>
      tpu.vector_store %arg10[%swap3A_783, %swap3A_784], %swap3A_787 {strides = array<i32>} : memref<208x128xf32, #tpu.memory_space<vmem>>, vector<1x16xf32>,
      %swap3A_788 = arith.index_cast %while3A_762 : i32 to index
      %swap3A_789 = arith.constant 80 : index
      %swap3A_790 = tpu.vector_load %arg10[%swap3A_788, %swap3A_789] {strides = array<i32>} : memref<208x128xf32, #tpu.memory_space<vmem>>, vector<1x16xf32>,
      %swap3A_791 = vector.shape_cast %swap3A_790 : vector<1x16xf32> to vector<16xf32>
      %swap3A_792 = vector.shape_cast %broadcast_in_dim3A_598 : vector<16xf32> to vector<1x16xf32>
      tpu.vector_store %arg10[%swap3A_788, %swap3A_789], %swap3A_792 {strides = array<i32>} : memref<208x128xf32, #tpu.memory_space<vmem>>, vector<1x16xf32>,
      %swap3A_793 = arith.index_cast %while3A_762 : i32 to index
      %swap3A_794 = arith.constant 96 : index
      %swap3A_795 = tpu.vector_load %arg10[%swap3A_793, %swap3A_794] {strides = array<i32>} : memref<208x128xf32, #tpu.memory_space<vmem>>, vector<1x16xf32>,
      %swap3A_796 = vector.shape_cast %swap3A_795 : vector<1x16xf32> to vector<16xf32>
      %swap3A_797 = vector.shape_cast %broadcast_in_dim3A_598 : vector<16xf32> to vector<1x16xf32>
      tpu.vector_store %arg10[%swap3A_793, %swap3A_794], %swap3A_797 {strides = array<i32>} : memref<208x128xf32, #tpu.memory_space<vmem>>, vector<1x16xf32>,
      %swap3A_798 = arith.index_cast %while3A_762 : i32 to index
      %swap3A_799 = arith.constant 112 : index
      %swap3A_800 = tpu.vector_load %arg10[%swap3A_798, %swap3A_799] {strides = array<i32>} : memref<208x128xf32, #tpu.memory_space<vmem>>, vector<1x16xf32>,
      %swap3A_801 = vector.shape_cast %swap3A_800 : vector<1x16xf32> to vector<16xf32>
      %swap3A_802 = vector.shape_cast %broadcast_in_dim3A_598 : vector<16xf32> to vector<1x16xf32>
      tpu.vector_store %arg10[%swap3A_798, %swap3A_799], %swap3A_802 {strides = array<i32>} : memref<208x128xf32, #tpu.memory_space<vmem>>, vector<1x16xf32>,
    }
    %dma_start3A_666 = arith.constant 0 : i32
    %dma_start3A_667 = tpu.memref_slice %arg10[%add3A_612, %dma_start3A_666] : memref<208x128xf32, #tpu.memory_space<vmem>> -> memref<64x128xf32, #tpu.memory_space<vmem>>
    %dma_start3A_668 = arith.constant 0 : i32
    %dma_start3A_669 = arith.constant 0 : i32
    %dma_start3A_670 = tpu.memref_slice %arg8[%arg1, %dma_start3A_668, %dma_start3A_669] : memref<16x128x128xf32, #tpu.memory_space<hbm>> -> memref<1x64x128xf32, #tpu.memory_space<hbm>>
    %dma_start3A_671 = tpu.memref_squeeze %dma_start3A_670 : memref<1x64x128xf32, #tpu.memory_space<hbm>> -> memref<64x128xf32, #tpu.memory_space<hbm>>
    %dma_start3A_672 = arith.constant 0 : i32
    %dma_start3A_673 = arith.constant 0 : i32
    %dma_start3A_674 = tpu.memref_slice %arg8[%arg1, %dma_start3A_672, %dma_start3A_673] : memref<16x128x128xf32, #tpu.memory_space<hbm>> -> memref<1x64x128xf32, #tpu.memory_space<hbm>>
    %dma_start3A_675 = tpu.memref_squeeze %dma_start3A_674 : memref<1x64x128xf32, #tpu.memory_space<hbm>> -> memref<64x128xf32, #tpu.memory_space<hbm>>
    %dma_start3A_676 = arith.constant 0 : i32
    %dma_start3A_677 = tpu.memref_slice %arg10[%add3A_612, %dma_start3A_676] : memref<208x128xf32, #tpu.memory_space<vmem>> -> memref<64x128xf32, #tpu.memory_space<vmem>>
    tpu.enqueue_dma source(%dma_start3A_677 : memref<64x128xf32, #tpu.memory_space<vmem>>) target(%dma_start3A_675 : memref<64x128xf32, #tpu.memory_space<hbm>>) target_semaphore(%arg19 : memref<!tpu.dma_semaphore, #tpu.memory_space<semaphore_mem>>)
    %dma_wait3A_678 = arith.constant 8 : i32
    %dma_wait3A_679 = arith.constant 0 : i32
    %dma_wait3A_680 = tpu.memref_slice %arg11[%dma_wait3A_678, %dma_wait3A_679] : memref<208x128xf32, #tpu.memory_space<vmem>> -> memref<72x128xf32, #tpu.memory_space<vmem>>
    %dma_wait3A_681 = arith.constant 0 : i32
    %dma_wait3A_682 = tpu.memref_slice %arg4[%multiple_of3A_144, %dma_wait3A_681] : memref<4096x128xf32, #tpu.memory_space<hbm>> -> memref<72x128xf32, #tpu.memory_space<hbm>>
    %dma_wait3A_683 = arith.constant 8 : i32
    %dma_wait3A_684 = arith.constant 0 : i32
    %dma_wait3A_685 = tpu.memref_slice %arg11[%dma_wait3A_683, %dma_wait3A_684] : memref<208x128xf32, #tpu.memory_space<vmem>> -> memref<72x128xf32, #tpu.memory_space<vmem>>
    %dma_wait3A_686 = arith.constant 0 : i32
    %dma_wait3A_687 = tpu.memref_slice %arg4[%multiple_of3A_144, %dma_wait3A_686] : memref<4096x128xf32, #tpu.memory_space<hbm>> -> memref<72x128xf32, #tpu.memory_space<hbm>>
    tpu.wait_dma2 semaphore(%arg17 : memref<!tpu.dma_semaphore, #tpu.memory_space<semaphore_mem>>) src(%dma_wait3A_687 : memref<72x128xf32, #tpu.memory_space<hbm>>) dst(%dma_wait3A_685 : memref<72x128xf32, #tpu.memory_space<vmem>>)
    %add3A_688 = arith.constant 8 : i32
    %add3A_689 = arith.addi %add3A_688, %sub3A_145 : i32
    %sub3A_690 = arith.constant 64 : i32
    %sub3A_691 = arith.subi %add3A_689, %sub3A_690 : i32
    %max3A_692 = arith.constant 64 : i32
    %max3A_693 = arith.maxsi %add3A_600, %max3A_692 : i32
    %add3A_694 = arith.addi %max3A_693, %sub3A_691 : i32
    %add3A_695 = arith.constant 128 : i32
    %add3A_696 = arith.addi %add3A_695, %sub3A_691 : i32
    %while3A_697 = arith.constant 0 : i32
    %while3A_698 = arith.subi %add3A_696, %add3A_694 : i32
    %while3A_699 = arith.addi %add3A_694, %while3A_698 : i32
    %while3A_700 = arith.constant 1 : i32
    %while3A_701 = arith.divsi %while3A_698, %while3A_700 : i32
    %while3A_702 = arith.muli %while3A_701, %while3A_700 : i32
    %while3A_703 = arith.addi %add3A_694, %while3A_702 : i32
    %while3A_704 = arith.constant 1 : i32
    scf.for %while3A_762 = %add3A_694 to %while3A_703 step %while3A_704  : i32 {
      %swap3A_763 = arith.index_cast %while3A_762 : i32 to index
      %swap3A_764 = arith.constant 0 : index
      %swap3A_765 = tpu.vector_load %arg11[%swap3A_763, %swap3A_764] {strides = array<i32>} : memref<208x128xf32, #tpu.memory_space<vmem>>, vector<1x16xf32>,
      %swap3A_766 = vector.shape_cast %swap3A_765 : vector<1x16xf32> to vector<16xf32>
      %swap3A_767 = vector.shape_cast %broadcast_in_dim3A_598 : vector<16xf32> to vector<1x16xf32>
      tpu.vector_store %arg11[%swap3A_763, %swap3A_764], %swap3A_767 {strides = array<i32>} : memref<208x128xf32, #tpu.memory_space<vmem>>, vector<1x16xf32>,
      %swap3A_768 = arith.index_cast %while3A_762 : i32 to index
      %swap3A_769 = arith.constant 16 : index
      %swap3A_770 = tpu.vector_load %arg11[%swap3A_768, %swap3A_769] {strides = array<i32>} : memref<208x128xf32, #tpu.memory_space<vmem>>, vector<1x16xf32>,
      %swap3A_771 = vector.shape_cast %swap3A_770 : vector<1x16xf32> to vector<16xf32>
      %swap3A_772 = vector.shape_cast %broadcast_in_dim3A_598 : vector<16xf32> to vector<1x16xf32>
      tpu.vector_store %arg11[%swap3A_768, %swap3A_769], %swap3A_772 {strides = array<i32>} : memref<208x128xf32, #tpu.memory_space<vmem>>, vector<1x16xf32>,
      %swap3A_773 = arith.index_cast %while3A_762 : i32 to index
      %swap3A_774 = arith.constant 32 : index
      %swap3A_775 = tpu.vector_load %arg11[%swap3A_773, %swap3A_774] {strides = array<i32>} : memref<208x128xf32, #tpu.memory_space<vmem>>, vector<1x16xf32>,
      %swap3A_776 = vector.shape_cast %swap3A_775 : vector<1x16xf32> to vector<16xf32>
      %swap3A_777 = vector.shape_cast %broadcast_in_dim3A_598 : vector<16xf32> to vector<1x16xf32>
      tpu.vector_store %arg11[%swap3A_773, %swap3A_774], %swap3A_777 {strides = array<i32>} : memref<208x128xf32, #tpu.memory_space<vmem>>, vector<1x16xf32>,
      %swap3A_778 = arith.index_cast %while3A_762 : i32 to index
      %swap3A_779 = arith.constant 48 : index
      %swap3A_780 = tpu.vector_load %arg11[%swap3A_778, %swap3A_779] {strides = array<i32>} : memref<208x128xf32, #tpu.memory_space<vmem>>, vector<1x16xf32>,
      %swap3A_781 = vector.shape_cast %swap3A_780 : vector<1x16xf32> to vector<16xf32>
      %swap3A_782 = vector.shape_cast %broadcast_in_dim3A_598 : vector<16xf32> to vector<1x16xf32>
      tpu.vector_store %arg11[%swap3A_778, %swap3A_779], %swap3A_782 {strides = array<i32>} : memref<208x128xf32, #tpu.memory_space<vmem>>, vector<1x16xf32>,
      %swap3A_783 = arith.index_cast %while3A_762 : i32 to index
      %swap3A_784 = arith.constant 64 : index
      %swap3A_785 = tpu.vector_load %arg11[%swap3A_783, %swap3A_784] {strides = array<i32>} : memref<208x128xf32, #tpu.memory_space<vmem>>, vector<1x16xf32>,
      %swap3A_786 = vector.shape_cast %swap3A_785 : vector<1x16xf32> to vector<16xf32>
      %swap3A_787 = vector.shape_cast %broadcast_in_dim3A_598 : vector<16xf32> to vector<1x16xf32>
      tpu.vector_store %arg11[%swap3A_783, %swap3A_784], %swap3A_787 {strides = array<i32>} : memref<208x128xf32, #tpu.memory_space<vmem>>, vector<1x16xf32>,
      %swap3A_788 = arith.index_cast %while3A_762 : i32 to index
      %swap3A_789 = arith.constant 80 : index
      %swap3A_790 = tpu.vector_load %arg11[%swap3A_788, %swap3A_789] {strides = array<i32>} : memref<208x128xf32, #tpu.memory_space<vmem>>, vector<1x16xf32>,
      %swap3A_791 = vector.shape_cast %swap3A_790 : vector<1x16xf32> to vector<16xf32>
      %swap3A_792 = vector.shape_cast %broadcast_in_dim3A_598 : vector<16xf32> to vector<1x16xf32>
      tpu.vector_store %arg11[%swap3A_788, %swap3A_789], %swap3A_792 {strides = array<i32>} : memref<208x128xf32, #tpu.memory_space<vmem>>, vector<1x16xf32>,
      %swap3A_793 = arith.index_cast %while3A_762 : i32 to index
      %swap3A_794 = arith.constant 96 : index
      %swap3A_795 = tpu.vector_load %arg11[%swap3A_793, %swap3A_794] {strides = array<i32>} : memref<208x128xf32, #tpu.memory_space<vmem>>, vector<1x16xf32>,
      %swap3A_796 = vector.shape_cast %swap3A_795 : vector<1x16xf32> to vector<16xf32>
      %swap3A_797 = vector.shape_cast %broadcast_in_dim3A_598 : vector<16xf32> to vector<1x16xf32>
      tpu.vector_store %arg11[%swap3A_793, %swap3A_794], %swap3A_797 {strides = array<i32>} : memref<208x128xf32, #tpu.memory_space<vmem>>, vector<1x16xf32>,
      %swap3A_798 = arith.index_cast %while3A_762 : i32 to index
      %swap3A_799 = arith.constant 112 : index
      %swap3A_800 = tpu.vector_load %arg11[%swap3A_798, %swap3A_799] {strides = array<i32>} : memref<208x128xf32, #tpu.memory_space<vmem>>, vector<1x16xf32>,
      %swap3A_801 = vector.shape_cast %swap3A_800 : vector<1x16xf32> to vector<16xf32>
      %swap3A_802 = vector.shape_cast %broadcast_in_dim3A_598 : vector<16xf32> to vector<1x16xf32>
      tpu.vector_store %arg11[%swap3A_798, %swap3A_799], %swap3A_802 {strides = array<i32>} : memref<208x128xf32, #tpu.memory_space<vmem>>, vector<1x16xf32>,
    }
    %while3A_705 = arith.constant 1 : i32
    scf.for %while3A_762 = %while3A_703 to %while3A_699 step %while3A_705  : i32 {
      %swap3A_763 = arith.index_cast %while3A_762 : i32 to index
      %swap3A_764 = arith.constant 0 : index
      %swap3A_765 = tpu.vector_load %arg11[%swap3A_763, %swap3A_764] {strides = array<i32>} : memref<208x128xf32, #tpu.memory_space<vmem>>, vector<1x16xf32>,
      %swap3A_766 = vector.shape_cast %swap3A_765 : vector<1x16xf32> to vector<16xf32>
      %swap3A_767 = vector.shape_cast %broadcast_in_dim3A_598 : vector<16xf32> to vector<1x16xf32>
      tpu.vector_store %arg11[%swap3A_763, %swap3A_764], %swap3A_767 {strides = array<i32>} : memref<208x128xf32, #tpu.memory_space<vmem>>, vector<1x16xf32>,
      %swap3A_768 = arith.index_cast %while3A_762 : i32 to index
      %swap3A_769 = arith.constant 16 : index
      %swap3A_770 = tpu.vector_load %arg11[%swap3A_768, %swap3A_769] {strides = array<i32>} : memref<208x128xf32, #tpu.memory_space<vmem>>, vector<1x16xf32>,
      %swap3A_771 = vector.shape_cast %swap3A_770 : vector<1x16xf32> to vector<16xf32>
      %swap3A_772 = vector.shape_cast %broadcast_in_dim3A_598 : vector<16xf32> to vector<1x16xf32>
      tpu.vector_store %arg11[%swap3A_768, %swap3A_769], %swap3A_772 {strides = array<i32>} : memref<208x128xf32, #tpu.memory_space<vmem>>, vector<1x16xf32>,
      %swap3A_773 = arith.index_cast %while3A_762 : i32 to index
      %swap3A_774 = arith.constant 32 : index
      %swap3A_775 = tpu.vector_load %arg11[%swap3A_773, %swap3A_774] {strides = array<i32>} : memref<208x128xf32, #tpu.memory_space<vmem>>, vector<1x16xf32>,
      %swap3A_776 = vector.shape_cast %swap3A_775 : vector<1x16xf32> to vector<16xf32>
      %swap3A_777 = vector.shape_cast %broadcast_in_dim3A_598 : vector<16xf32> to vector<1x16xf32>
      tpu.vector_store %arg11[%swap3A_773, %swap3A_774], %swap3A_777 {strides = array<i32>} : memref<208x128xf32, #tpu.memory_space<vmem>>, vector<1x16xf32>,
      %swap3A_778 = arith.index_cast %while3A_762 : i32 to index
      %swap3A_779 = arith.constant 48 : index
      %swap3A_780 = tpu.vector_load %arg11[%swap3A_778, %swap3A_779] {strides = array<i32>} : memref<208x128xf32, #tpu.memory_space<vmem>>, vector<1x16xf32>,
      %swap3A_781 = vector.shape_cast %swap3A_780 : vector<1x16xf32> to vector<16xf32>
      %swap3A_782 = vector.shape_cast %broadcast_in_dim3A_598 : vector<16xf32> to vector<1x16xf32>
      tpu.vector_store %arg11[%swap3A_778, %swap3A_779], %swap3A_782 {strides = array<i32>} : memref<208x128xf32, #tpu.memory_space<vmem>>, vector<1x16xf32>,
      %swap3A_783 = arith.index_cast %while3A_762 : i32 to index
      %swap3A_784 = arith.constant 64 : index
      %swap3A_785 = tpu.vector_load %arg11[%swap3A_783, %swap3A_784] {strides = array<i32>} : memref<208x128xf32, #tpu.memory_space<vmem>>, vector<1x16xf32>,
      %swap3A_786 = vector.shape_cast %swap3A_785 : vector<1x16xf32> to vector<16xf32>
      %swap3A_787 = vector.shape_cast %broadcast_in_dim3A_598 : vector<16xf32> to vector<1x16xf32>
      tpu.vector_store %arg11[%swap3A_783, %swap3A_784], %swap3A_787 {strides = array<i32>} : memref<208x128xf32, #tpu.memory_space<vmem>>, vector<1x16xf32>,
      %swap3A_788 = arith.index_cast %while3A_762 : i32 to index
      %swap3A_789 = arith.constant 80 : index
      %swap3A_790 = tpu.vector_load %arg11[%swap3A_788, %swap3A_789] {strides = array<i32>} : memref<208x128xf32, #tpu.memory_space<vmem>>, vector<1x16xf32>,
      %swap3A_791 = vector.shape_cast %swap3A_790 : vector<1x16xf32> to vector<16xf32>
      %swap3A_792 = vector.shape_cast %broadcast_in_dim3A_598 : vector<16xf32> to vector<1x16xf32>
      tpu.vector_store %arg11[%swap3A_788, %swap3A_789], %swap3A_792 {strides = array<i32>} : memref<208x128xf32, #tpu.memory_space<vmem>>, vector<1x16xf32>,
      %swap3A_793 = arith.index_cast %while3A_762 : i32 to index
      %swap3A_794 = arith.constant 96 : index
      %swap3A_795 = tpu.vector_load %arg11[%swap3A_793, %swap3A_794] {strides = array<i32>} : memref<208x128xf32, #tpu.memory_space<vmem>>, vector<1x16xf32>,
      %swap3A_796 = vector.shape_cast %swap3A_795 : vector<1x16xf32> to vector<16xf32>
      %swap3A_797 = vector.shape_cast %broadcast_in_dim3A_598 : vector<16xf32> to vector<1x16xf32>
      tpu.vector_store %arg11[%swap3A_793, %swap3A_794], %swap3A_797 {strides = array<i32>} : memref<208x128xf32, #tpu.memory_space<vmem>>, vector<1x16xf32>,
      %swap3A_798 = arith.index_cast %while3A_762 : i32 to index
      %swap3A_799 = arith.constant 112 : index
      %swap3A_800 = tpu.vector_load %arg11[%swap3A_798, %swap3A_799] {strides = array<i32>} : memref<208x128xf32, #tpu.memory_space<vmem>>, vector<1x16xf32>,
      %swap3A_801 = vector.shape_cast %swap3A_800 : vector<1x16xf32> to vector<16xf32>
      %swap3A_802 = vector.shape_cast %broadcast_in_dim3A_598 : vector<16xf32> to vector<1x16xf32>
      tpu.vector_store %arg11[%swap3A_798, %swap3A_799], %swap3A_802 {strides = array<i32>} : memref<208x128xf32, #tpu.memory_space<vmem>>, vector<1x16xf32>,
    }
    %add3A_706 = arith.constant 64 : i32
    %add3A_707 = arith.addi %sub3A_691, %add3A_706 : i32
    %dma_start3A_708 = arith.constant 0 : i32
    %dma_start3A_709 = tpu.memref_slice %arg11[%add3A_707, %dma_start3A_708] : memref<208x128xf32, #tpu.memory_space<vmem>> -> memref<64x128xf32, #tpu.memory_space<vmem>>
    %dma_start3A_710 = arith.constant 64 : i32
    %dma_start3A_711 = arith.constant 0 : i32
    %dma_start3A_712 = tpu.memref_slice %arg8[%arg1, %dma_start3A_710, %dma_start3A_711] : memref<16x128x128xf32, #tpu.memory_space<hbm>> -> memref<1x64x128xf32, #tpu.memory_space<hbm>>
    %dma_start3A_713 = tpu.memref_squeeze %dma_start3A_712 : memref<1x64x128xf32, #tpu.memory_space<hbm>> -> memref<64x128xf32, #tpu.memory_space<hbm>>
    %dma_start3A_714 = arith.constant 64 : i32
    %dma_start3A_715 = arith.constant 0 : i32
    %dma_start3A_716 = tpu.memref_slice %arg8[%arg1, %dma_start3A_714, %dma_start3A_715] : memref<16x128x128xf32, #tpu.memory_space<hbm>> -> memref<1x64x128xf32, #tpu.memory_space<hbm>>
    %dma_start3A_717 = tpu.memref_squeeze %dma_start3A_716 : memref<1x64x128xf32, #tpu.memory_space<hbm>> -> memref<64x128xf32, #tpu.memory_space<hbm>>
    %dma_start3A_718 = arith.constant 0 : i32
    %dma_start3A_719 = tpu.memref_slice %arg11[%add3A_707, %dma_start3A_718] : memref<208x128xf32, #tpu.memory_space<vmem>> -> memref<64x128xf32, #tpu.memory_space<vmem>>
    tpu.enqueue_dma source(%dma_start3A_719 : memref<64x128xf32, #tpu.memory_space<vmem>>) target(%dma_start3A_717 : memref<64x128xf32, #tpu.memory_space<hbm>>) target_semaphore(%arg19 : memref<!tpu.dma_semaphore, #tpu.memory_space<semaphore_mem>>)
    %dma_wait3A_720 = arith.constant 0 : i32
    %dma_wait3A_721 = tpu.memref_slice %arg6[%arg1, %dma_wait3A_720] : memref<16x128xi32, #tpu.memory_space<hbm>> -> memref<1x128xi32, #tpu.memory_space<hbm>>
    %dma_wait3A_722 = tpu.memref_squeeze %dma_wait3A_721 : memref<1x128xi32, #tpu.memory_space<hbm>> -> memref<128xi32, #tpu.memory_space<hbm>>
    %dma_wait3A_723 = arith.constant 0 : i32
    %dma_wait3A_724 = tpu.memref_slice %arg6[%arg1, %dma_wait3A_723] : memref<16x128xi32, #tpu.memory_space<hbm>> -> memref<1x128xi32, #tpu.memory_space<hbm>>
    %dma_wait3A_725 = tpu.memref_squeeze %dma_wait3A_724 : memref<1x128xi32, #tpu.memory_space<hbm>> -> memref<128xi32, #tpu.memory_space<hbm>>
    tpu.wait_dma2 semaphore(%arg19 : memref<!tpu.dma_semaphore, #tpu.memory_space<semaphore_mem>>) src(%arg14 : memref<128xi32, #tpu.memory_space<vmem>>) dst(%dma_wait3A_725 : memref<128xi32, #tpu.memory_space<hbm>>)
    %dma_wait3A_726 = arith.constant 0 : i32
    %dma_wait3A_727 = tpu.memref_slice %arg7[%arg1, %dma_wait3A_726] : memref<16x128xi32, #tpu.memory_space<hbm>> -> memref<1x128xi32, #tpu.memory_space<hbm>>
    %dma_wait3A_728 = tpu.memref_squeeze %dma_wait3A_727 : memref<1x128xi32, #tpu.memory_space<hbm>> -> memref<128xi32, #tpu.memory_space<hbm>>
    %dma_wait3A_729 = arith.constant 0 : i32
    %dma_wait3A_730 = tpu.memref_slice %arg7[%arg1, %dma_wait3A_729] : memref<16x128xi32, #tpu.memory_space<hbm>> -> memref<1x128xi32, #tpu.memory_space<hbm>>
    %dma_wait3A_731 = tpu.memref_squeeze %dma_wait3A_730 : memref<1x128xi32, #tpu.memory_space<hbm>> -> memref<128xi32, #tpu.memory_space<hbm>>
    tpu.wait_dma2 semaphore(%arg19 : memref<!tpu.dma_semaphore, #tpu.memory_space<semaphore_mem>>) src(%arg15 : memref<128xi32, #tpu.memory_space<vmem>>) dst(%dma_wait3A_731 : memref<128xi32, #tpu.memory_space<hbm>>)
    %dma_wait3A_732 = arith.constant 0 : i32
    %dma_wait3A_733 = tpu.memref_slice %arg5[%arg1, %dma_wait3A_732] : memref<16x128xi32, #tpu.memory_space<hbm>> -> memref<1x128xi32, #tpu.memory_space<hbm>>
    %dma_wait3A_734 = tpu.memref_squeeze %dma_wait3A_733 : memref<1x128xi32, #tpu.memory_space<hbm>> -> memref<128xi32, #tpu.memory_space<hbm>>
    %dma_wait3A_735 = arith.constant 0 : i32
    %dma_wait3A_736 = tpu.memref_slice %arg5[%arg1, %dma_wait3A_735] : memref<16x128xi32, #tpu.memory_space<hbm>> -> memref<1x128xi32, #tpu.memory_space<hbm>>
    %dma_wait3A_737 = tpu.memref_squeeze %dma_wait3A_736 : memref<1x128xi32, #tpu.memory_space<hbm>> -> memref<128xi32, #tpu.memory_space<hbm>>
    tpu.wait_dma2 semaphore(%arg19 : memref<!tpu.dma_semaphore, #tpu.memory_space<semaphore_mem>>) src(%arg13 : memref<128xi32, #tpu.memory_space<vmem>>) dst(%dma_wait3A_737 : memref<128xi32, #tpu.memory_space<hbm>>)
    %dma_wait3A_738 = arith.constant 0 : i32
    %dma_wait3A_739 = tpu.memref_slice %arg10[%add3A_612, %dma_wait3A_738] : memref<208x128xf32, #tpu.memory_space<vmem>> -> memref<64x128xf32, #tpu.memory_space<vmem>>
    %dma_wait3A_740 = arith.constant 0 : i32
    %dma_wait3A_741 = arith.constant 0 : i32
    %dma_wait3A_742 = tpu.memref_slice %arg8[%arg1, %dma_wait3A_740, %dma_wait3A_741] : memref<16x128x128xf32, #tpu.memory_space<hbm>> -> memref<1x64x128xf32, #tpu.memory_space<hbm>>
    %dma_wait3A_743 = tpu.memref_squeeze %dma_wait3A_742 : memref<1x64x128xf32, #tpu.memory_space<hbm>> -> memref<64x128xf32, #tpu.memory_space<hbm>>
    %dma_wait3A_744 = arith.constant 0 : i32
    %dma_wait3A_745 = arith.constant 0 : i32
    %dma_wait3A_746 = tpu.memref_slice %arg8[%arg1, %dma_wait3A_744, %dma_wait3A_745] : memref<16x128x128xf32, #tpu.memory_space<hbm>> -> memref<1x64x128xf32, #tpu.memory_space<hbm>>
    %dma_wait3A_747 = tpu.memref_squeeze %dma_wait3A_746 : memref<1x64x128xf32, #tpu.memory_space<hbm>> -> memref<64x128xf32, #tpu.memory_space<hbm>>
    %dma_wait3A_748 = arith.constant 0 : i32
    %dma_wait3A_749 = tpu.memref_slice %arg10[%add3A_612, %dma_wait3A_748] : memref<208x128xf32, #tpu.memory_space<vmem>> -> memref<64x128xf32, #tpu.memory_space<vmem>>
    tpu.wait_dma2 semaphore(%arg19 : memref<!tpu.dma_semaphore, #tpu.memory_space<semaphore_mem>>) src(%dma_wait3A_749 : memref<64x128xf32, #tpu.memory_space<vmem>>) dst(%dma_wait3A_747 : memref<64x128xf32, #tpu.memory_space<hbm>>)
    %dma_wait3A_750 = arith.constant 0 : i32
    %dma_wait3A_751 = tpu.memref_slice %arg11[%add3A_707, %dma_wait3A_750] : memref<208x128xf32, #tpu.memory_space<vmem>> -> memref<64x128xf32, #tpu.memory_space<vmem>>
    %dma_wait3A_752 = arith.constant 64 : i32
    %dma_wait3A_753 = arith.constant 0 : i32
    %dma_wait3A_754 = tpu.memref_slice %arg8[%arg1, %dma_wait3A_752, %dma_wait3A_753] : memref<16x128x128xf32, #tpu.memory_space<hbm>> -> memref<1x64x128xf32, #tpu.memory_space<hbm>>
    %dma_wait3A_755 = tpu.memref_squeeze %dma_wait3A_754 : memref<1x64x128xf32, #tpu.memory_space<hbm>> -> memref<64x128xf32, #tpu.memory_space<hbm>>
    %dma_wait3A_756 = arith.constant 64 : i32
    %dma_wait3A_757 = arith.constant 0 : i32
    %dma_wait3A_758 = tpu.memref_slice %arg8[%arg1, %dma_wait3A_756, %dma_wait3A_757] : memref<16x128x128xf32, #tpu.memory_space<hbm>> -> memref<1x64x128xf32, #tpu.memory_space<hbm>>
    %dma_wait3A_759 = tpu.memref_squeeze %dma_wait3A_758 : memref<1x64x128xf32, #tpu.memory_space<hbm>> -> memref<64x128xf32, #tpu.memory_space<hbm>>
    %dma_wait3A_760 = arith.constant 0 : i32
    %dma_wait3A_761 = tpu.memref_slice %arg11[%add3A_707, %dma_wait3A_760] : memref<208x128xf32, #tpu.memory_space<vmem>> -> memref<64x128xf32, #tpu.memory_space<vmem>>
    tpu.wait_dma2 semaphore(%arg19 : memref<!tpu.dma_semaphore, #tpu.memory_space<semaphore_mem>>) src(%dma_wait3A_761 : memref<64x128xf32, #tpu.memory_space<vmem>>) dst(%dma_wait3A_759 : memref<64x128xf32, #tpu.memory_space<hbm>>)
    return
  }
}

</mosaic_0001>

<sc_bundles>
// kernel: kernel.3.cloned.1.call-start
scs
__scs_entry_jumppad:
0x0: {  	(pc) =	sbr.rel $0x88, $3  }
0x1: {  	(tag) =	ssettag $0x0;
	lr =	simm.s32 $0x1  }
0x2: {  	[smem:$0x3F9E] =	sst lr;
	_ =	strace $0xD0000000  }
0x3: {  	_ = 	snop  }
0x4: {  	_ = 	snop  }
0x5: {  	_ = 	snop  }
0x6: {  	_ = 	snop  }
0x7: {  	_ = 	snop  }
__scs_overlays_trampoline_lowered:
0x8: {  	[smem:$0x3FAD] =	sst s0  }
0x9: {  	[smem:$0x3FAE] =	sst s1  }
0xa: {  	[smem:$0x3FAF] =	sst s2  }
0xb: {  	[smem:$0x3FB0] =	sst s3  }
0xc: {  	[smem:$0x3FB1] =	sst s4  }
0xd: {  	[smem:$0x3FB2] =	sst s5  }
0xe: {  	[smem:$0x3FB3] =	sst s6  }
0xf: {  	[smem:$0x3FB4] =	sst s7  }
0x10: {  	[smem:$0x3FB5] =	sst s8  }
0x11: {  	[smem:$0x3FB6] =	sst s9;
	s0 =	simm.s32 @!p0 $0x0  }
0x12: {  	s1 =	sld [smem:$0x3F9C];
	s0 =	simm.s32 @p0 $0x1  }
0x13: {  	[smem:$0x3FB7] =	sst s0;
	s0 =	simm.s32 @!p1 $0x0  }
0x14: {  	s2 =	sld [smem:$0x3F9B];
	s0 =	simm.s32 @p1 $0x1  }
0x15: {  	[smem:$0x3FB8] =	sst s0;
	s0 =	simm.s32 @!p2 $0x0  }
0x16: {  	s3 =	sld [smem:$0x3FDB];
	s0 =	simm.s32 @p2 $0x1  }
0x17: {  	s4 =	simm.s32 $0x1BF5;
	[smem:$0x3FBA] =	sst s0  }
0x18: {  	s0 =	sld [smem:$0x3F9D];
	_ =	swait.ge [sflag:s4], $0x0  }
0x19: {  	s7 =	sld [smem:$0x3F9E]  }
0x1a: {  	s8 =	sadd.s32 $0xFFFFE003, lr  }
0x1b: {  	s9 =	sadd.s32 $0xFFFFFEF7, lr;
	s5 =	simm.s32 $0xFFFFFFFF;
	p2 =	slt.u32 s8, $0xFFFFF086  }
0x1c: {  	p1 =	slt.u32 s9, $0xF7A;
	s5 =	simm.s32 @!p2 $0x0  }
0x1d: {  	s5 =	simm.s32 @p1 $0x1;
	p0 =	seq.s32 s7, s2  }
0x1e: {  	s7 =	smul.u32 @!p0 $0xF7A, s2;
	p2 =	seq.s32 @!p0 s5, $0x0  }
0x1f: {  	s9 =	smul.u32 $0xF7A, s1;
	s8 =	simm.s32 @!p0 $0x1BF5;
	p2 =	por !p2, p0  }
0x20: {  	[sflag:s8] =	ssyncset.s32 @!p0 $0xFFFFF086;
	s6 =	sadd.s32 @!p0 s3, s7;
	s7 =	simm.s32 @!p0 $0x108  }
0x21: {  	s3 =	sadd.s32 s3, s9;
	s6 =	sadd.s32 @!p0 $0x88, s6;
	s7 =	simm.s32 @p2 $0x1082  }
0x22: {  	[simem:s7], [sflag:s8] =	dma.local @!p0 [hbm:s6], $0xF7A  }
0x23: {  	s9 =	sor.u32 $0xD0000000, s2;
	s6 =	simm.s32 $0x108;
	_ =	swait.ge @!p0 [sflag:s8], $0x0  }
0x24: {  	s3 =	sadd.s32 $0x88, s3;
	s6 =	simm.s32 @!p1 $0x1082;
	[sflag:s4] =	ssyncset.s32 $0xFFFFF086  }
0x25: {  	[simem:s6], [sflag:s4] =	dma.local [hbm:s3], $0xF7A  }
0x26: {  	[smem:$0x3F9E] =	sst s1;
	(tag) =	ssettag s2;
	_ =	strace s9  }
0x27: {  	s1 =	sld [smem:$0x3FAE]  }
0x28: {  	s2 =	sld [smem:$0x3FAF]  }
0x29: {  	s4 =	sld [smem:$0x3FB1]  }
0x2a: {  	p0 =	seq.s32 s5, $0x0;
	s5 =	sld [smem:$0x3FB2]  }
0x2b: {  	s6 =	sld [smem:$0x3FB3]  }
0x2c: {  	s7 =	sld [smem:$0x3FB4]  }
0x2d: {  	s3 =	simm.s32 $0x108;
	s8 =	sld [smem:$0x3FB5]  }
0x2e: {  	s3 =	simm.s32 @!p0 $0x1082;
	s9 =	sld [smem:$0x3FB6]  }
0x2f: {  	lr =	sadd.s32 s0, s3;
	s0 =	sld [smem:$0x3FAD]  }
0x30: {  	s3 =	sld [smem:$0x3FB0]  }
0x31: {  	[smem:$0x3FB9] =	sst s10  }
0x32: {  	s10 =	sld [smem:$0x3FB7];
	_ =	sdelay $0x3  }
0x33: {  	p0 =	seq.s32 s10, $0x1;
	s10 =	sld [smem:$0x3FB9];
	_ =	sdelay $0x3  }
0x34: {  	[smem:$0x3FB9] =	sst s10  }
0x35: {  	s10 =	sld [smem:$0x3FB8];
	_ =	sdelay $0x3  }
0x36: {  	p1 =	seq.s32 s10, $0x1;
	s10 =	sld [smem:$0x3FB9];
	_ =	sdelay $0x3  }
0x37: {  	[smem:$0x3FB9] =	sst s10  }
0x38: {  	s10 =	sld [smem:$0x3FBA]  }
0x39: {  	_ = 	snop;
	(pc) =	sbr.ind lr, $3  }
0x3a: {  	_ = 	snop  }
0x3b: {  	_ = 	snop  }
0x3c: {  	p2 =	seq.s32 s10, $0x1;
	s10 =	sld [smem:$0x3FB9]  }
0x3d: {  	_ =	shalt  }
0x3e: {  	_ =	shalt  }
0x3f: {  	_ =	shalt  }
0x40: {  	_ =	shalt  }
0x41: {  	_ =	shalt  }
0x42: {  	_ =	shalt  }
0x43: {  	_ =	shalt  }
0x44: {  	_ =	shalt  }
0x45: {  	_ =	shalt  }
0x46: {  	_ =	shalt  }
0x47: {  	_ =	shalt  }
0x48: {  	_ =	shalt  }
0x49: {  	_ =	shalt  }
0x4a: {  	_ =	shalt  }
0x4b: {  	_ =	shalt  }
0x4c: {  	_ =	shalt  }
0x4d: {  	_ =	shalt  }
0x4e: {  	_ =	shalt  }
0x4f: {  	_ =	shalt  }
0x50: {  	_ =	shalt  }
0x51: {  	_ =	shalt  }
0x52: {  	_ =	shalt  }
0x53: {  	_ =	shalt  }
0x54: {  	_ =	shalt  }
0x55: {  	_ =	shalt  }
0x56: {  	_ =	shalt  }
0x57: {  	_ =	shalt  }
0x58: {  	_ =	shalt  }
0x59: {  	_ =	shalt  }
0x5a: {  	_ =	shalt  }
0x5b: {  	_ =	shalt  }
0x5c: {  	_ =	shalt  }
0x5d: {  	_ =	shalt  }
0x5e: {  	_ =	shalt  }
0x5f: {  	_ =	shalt  }
0x60: {  	_ =	shalt  }
0x61: {  	_ =	shalt  }
0x62: {  	_ =	shalt  }
0x63: {  	_ =	shalt  }
0x64: {  	_ =	shalt  }
0x65: {  	_ =	shalt  }
0x66: {  	_ =	shalt  }
0x67: {  	_ =	shalt  }
0x68: {  	_ =	shalt  }
0x69: {  	_ =	shalt  }
0x6a: {  	_ =	shalt  }
0x6b: {  	_ =	shalt  }
0x6c: {  	_ =	shalt  }
0x6d: {  	_ =	shalt  }
0x6e: {  	_ =	shalt  }
0x6f: {  	_ =	shalt  }
0x70: {  	_ =	shalt  }
0x71: {  	_ =	shalt  }
0x72: {  	_ =	shalt  }
0x73: {  	_ =	shalt  }
0x74: {  	_ =	shalt  }
0x75: {  	_ =	shalt  }
0x76: {  	_ =	shalt  }
0x77: {  	_ =	shalt  }
0x78: {  	_ =	shalt  }
0x79: {  	_ =	shalt  }
0x7a: {  	_ =	shalt  }
0x7b: {  	_ =	shalt  }
0x7c: {  	_ =	shalt  }
0x7d: {  	_ =	shalt  }
0x7e: {  	_ =	shalt  }
0x7f: {  	_ =	shalt  }
0x80: {  	_ =	shalt  }
0x81: {  	_ =	shalt  }
0x82: {  	_ =	shalt  }
0x83: {  	_ =	shalt  }
0x84: {  	_ =	shalt  }
0x85: {  	_ =	shalt  }
0x86: {  	_ =	shalt  }
0x87: {  	_ =	shalt  }
.Lfunc_end0:
.L_simem_size_0:
called_computation_lowered:
.L_overlay_start_0:
0x88: {  	s0 =	sld [smem:$0x3FD9]  }
0x89: {  	s1 =	sld [smem:$0x3FFE];
	_ =	sdelay $0x3  }
0x8a: {  	s0 =	sadd.s32 s1, s0  }
0x8b: {  	[smem:$0x3FC5] =	sst s0  }
0x8c: {  	_ = 	snop  }
0x8d: {  	s0 =	sld [smem:$0x3FD0]  }
0x8e: {  	s14 =	sld [smem:$0x3FC9]  }
0x8f: {  	s2 =	sld [smem:$0x3FC8]  }
0x90: {  	s4 =	simm.s32 $0xA;
	s5 =	simm.s32 $0x10;
	s3 =	sld [smem:$0x3FC7]  }
0x91: {  	[smem:s5], [sflag:s4] =	dma.local [hbm:s0], $0x1  }
0x92: {  	_ =	swait.eq [sflag:s4], $0x1  }
0x93: {  	s15 =	sld [smem:$0x10]  }
0x94: {  	s16 =	sld [smem:$0x11];
	[sflag:s4] =	ssyncset.done $0x0  }
0x95: {  	s6 =	sld [smem:$0x12];
	[sflag:s4] =	ssyncadd.s32 $0xFFFFFFFF  }
0x96: {  	s17 =	sld [smem:$0x13];
	(tm) =	ssettm $0x1  }
0x97: {  	s7 =	sld [smem:$0x3FFB];
	_ =	sdelay $0x3  }
0x98: {  	_ =	strace s7  }
0x99: {  	s7 =	sld [smem:$0x3FFC];
	_ =	sdelay $0x3  }
0x9a: {  	_ =	strace s7  }
0x9b: {  	s7 =	sld [smem:$0x3FFD];
	_ =	sdelay $0x3  }
0x9c: {  	_ =	strace s7  }
0x9d: {  	_ =	strace $0x8FFFFFFF  }
0x9e: {  	s18 =	sld [smem:$0x3FDB];
	_ =	sdelay $0x1  }
0x9f: {  	s8 =	simm.s32 $_scs_section_size  }
0xa0: {  	s9 =	simm.s32 $_size__tile_overlayer_lowered;
	s10 =	simm.s32 $_tile_overlayer_lowered  }
0xa1: {  	s21 =	simm.s32 $0x1BFF;
	s20 =	sshll.u32 s10, $0x1;
	s7 =	sadd.s32 s8, s18  }
0xa2: {  	s11 =	simm.s32 $0x0;
	s19 =	sshll.u32 s9, $0x1;
	s9 =	sadd.s32 s20, s7  }
0xa3: {  	[timem:s11], [sflag:s21] =	dma.local [hbm:s9], s19  }
0xa4: {  	_ =	swait.ge [sflag:s21], s19  }
0xa5: {  	s8 =	ssub.s32 $0x0, s19;
	[sflag:s21] =	ssyncset.done $0x0  }
0xa6: {  	[sflag:s21] =	ssyncadd.s32 s8;
	_ =	sdelay $0x1  }
0xa7: {  	s22 =	simm.s32 $0x1B8B  }
0xa8: {  	_ =	swait.ge [sflag:s22], $0x1  }
0xa9: {  	[sflag:s22] =	ssyncset.done $0x0  }
0xaa: {  	s23 =	simm.s32 $0x1B8E;
	[sflag:s22] =	ssyncadd.s32 $0xFFFFFFFF  }
0xab: {  	s24 =	simm.s32 $execute0_lowered;
	[smem:$0x3FD2] =	sst s23  }
0xac: {  	s8 =	sshll.u32 s24, $0x1;
	_ =	strace $0x80000046;
	[dreg:$0x1] =	wrdreg $0xFFFFFFFF  }
0xad: {  	s25 =	simm.s32 $_size_execute0_lowered;
	s7 =	sadd.s32 s7, s8;
	[dreg:$0x0] =	wrdreg $0x0  }
0xae: {  	s8 =	sshll.u32 s25, $0x1;
	[dreg:$0x2] =	wrdreg s7  }
0xaf: {  	[dreg:$0x3] =	wrdreg s8  }
0xb0: {  	[dreg:$0x4] =	wrdreg $0xC0  }
0xb1: {  	_ =	task [dreg:s11], $0x5FFFF  }
0xb2: {  	[dreg:$0x1] =	wrdreg $0xFFFFFFFF  }
0xb3: {  	[dreg:$0x0] =	wrdreg $0x60  }
0xb4: {  	[dreg:$0x2] =	wrdreg s14  }
0xb5: {  	[dreg:$0x3] =	wrdreg s2  }
0xb6: {  	[dreg:$0x4] =	wrdreg s3  }
0xb7: {  	[dreg:$0x5] =	wrdreg s15  }
0xb8: {  	[dreg:$0x6] =	wrdreg s16  }
0xb9: {  	[dreg:$0x7] =	wrdreg s6  }
0xba: {  	[dreg:$0x8] =	wrdreg s17  }
0xbb: {  	[dreg:$0x9] =	wrdreg $0x9  }
0xbc: {  	_ =	task.clear_ibuf [dreg:s11], $0xAFFFF;
	_ =	strace $0x90000046  }
0xbd: {  	s26 =	simm.s32 $0x9;
	_ =	strace $0x80000048  }
0xbe: {  	_ =	swait.ge [sflag:s26], $0x1  }
0xbf: {  	[sflag:s26] =	ssyncadd.s32 $0xFFFFFFFF  }
0xc0: {  	_ =	strace $0x90000048  }
0xc1: {  	_ =	sfence  }
0xc2: {  	s28 =	sld [smem:$0x0];
	_ =	sdelay $0x1  }
0xc3: {  	s29 =	srdreg.scid  }
0xc4: {  	s30 =	sshll.u32 s29, $0xD;
	s31 =	sshrl.u32 s29, $0x2  }
0xc5: {  	s1 =	sand.u32 $0x1, s29;
	s2 =	sand.u32 $0x4000, s30;
	s0 =	sadd.s32 s31, s28  }
0xc6: {  	s1 =	sor.u32 s2, s1;
	s0 =	sshll.u32 s0, $0x11  }
0xc7: {  	s0 =	sor.u32 s0, s1  }
0xc8: {  	s0 =	sadd.s32 $0x8F2B, s0  }
0xc9: {  	[sflag:s0] =	ssyncadd.remote.s32 $0x1  }
0xca: {  	_ =	sfence.sel $0xFFFF  }
0xcb: {  	[dreg:$0x0] =	wrdreg $0xFFFFFFFF;
	(pc) =	sbr.abs _section_cstart, $3  }
0xcc: {  	[dreg:$0x1] =	wrdreg $0xFFFFFFFF  }
0xcd: {  	_ =	task.clear_ibuf [dreg:s11], $0x2FFFF;
	_ =	strace $0x9FFFFFFF  }
0xce: {  	(tm) =	ssettm $0x7FFFFFFF  }
0xcf: {  	_ =	shalt  }
tec
execute0_lowered:
.L_overlay_start_1:
0x0: {  	(tag) =	ssettag $0x1  }
0x1: {  	s5 =	rddreg [dreg:$0x0]  }
0x2: {  	s1 =	rddreg [dreg:$0x1]  }
0x3: {  	s13 =	rddreg [dreg:$0x2]  }
0x4: {  	s7 =	rddreg [dreg:$0x3]  }
0x5: {  	s12 =	rddreg [dreg:$0x4]  }
0x6: {  	s3 =	rddreg [dreg:$0x5]  }
0x7: {  	s4 =	rddreg [dreg:$0x6];
	s2 =	simm.s32 $0x0  }
0x8: {  	[smem:$0x7FF] =	sst s2  }
0x9: {  	s0 =	rddreg [dreg:$0x7];
	_ =	strace $0x80000047  }
0xa: {  	v0 =	vimm.s32 $0x0;
	[tilespmem:s2], [sflag:$0x5] =	stream.linear.gather [hbm4b:s1+s2], $0x11, $0x38;
	[tilespmem:$0xD380] =	vst v63  }
0xb: {  	[tilespmem:$0xD300] =	vst v0  }
0xc: {  	[tilespmem:$0xD310] =	vst v0  }
0xd: {  	[tilespmem:$0xD320] =	vst v0  }
0xe: {  	[tilespmem:$0xD330] =	vst v0  }
0xf: {  	[tilespmem:$0xD340] =	vst v0  }
0x10: {  	s1 =	stileid.u32;
	[tilespmem:$0xD350] =	vst v0  }
0x11: {  	s8 =	sshll.u32 s1, $0x4;
	[tilespmem:$0xD360] =	vst v0  }
0x12: {  	s6 =	simm.s32 $0xD300;
	s24 =	simm.s32 $0x5;
	[tilespmem:$0xD370] =	vst v0;
	s3 =	sadd.s32 s3, s8  }
0x13: {  	[hbm4b:s3+s2] =	stream.linear.scatter [tilespmem:s6], [sflag:$0x4], $0x80, $0x38;
	[tilespmem:$0xD380] =	vst v63  }
0x14: {  	_ =	swait.ge [sflag:s24], $0x11  }
0x15: {  	[sflag:s24] =	ssyncset.done $0x0  }
0x16: {  	[sflag:s24] =	ssyncadd.s32 $0xFFFFFFEF  }
0x17: {  	v1 =	vld [tilespmem:s1+$0x0];
	_ =	sdelay $0x4  }
0x18: {  	(v2sf) =	vpush v1, $0x0;
	_ =	sdelay $0xe  }
0x19: {  	s3 =	spop (v2sf)  }
0x1a: {  	s25 =	sand.u32 $0x7, s3  }
0x1b: {  	s9 =	sshra.s32 s3, $0x1F;
	p0 =	slt.s32 s3, $0x1;
	p1 =	sne.s32 s25, $0x0  }
0x1c: {  	s26 =	sshrl.u32 s9, $0x1D;
	p0 =	por !p0, !p1  }
0x1d: {  	s9 =	simm.s32 $0x1;
	s6 =	sadd.s32 s26, s3;
	p0 =	por !p0, !p0  }
0x1e: {  	s6 =	sshrl.u32 s6, $0x3;
	s9 =	simm.s32 @!p0 $0x0  }
0x1f: {  	s6 =	ssub.s32 s6, s9  }
0x20: {  	s14 =	sshll.u32 s6, $0x3  }
0x21: {  	(v2sf) =	vpush v1, $0x1;
	p0 =	slt.s32 s14, $0xF78  }
0x22: {  	s14 =	simm.s32 @!p0 $0xF78  }
0x23: {  	s28 =	sshrl.u32 s14, $0x3  }
0x24: {  	s29 =	simm.s32 $0xD088;
	s11 =	sadd.s32 $0xFFFFFFFF, s3;
	s5 =	sadd.s32 s5, s28  }
0x25: {  	[tilespmem:s29], [sflag:$0x3] =	stream.linear.gather [hbm4b:s5+s2], $0x88, $0x38;
	[tilespmem:$0xD380] =	vst v63  }
0x26: {  	p0 =	sgt.s32 s11, $0x0;
	s5 =	smov.u32 s11  }
0x27: {  	s5 =	simm.s32 @!p0 $0x0  }
0x28: {  	p3 =	slt.s32 s11, $0x1;
	s9 =	sadd.s32 $0x3F, s3;
	s30 =	sand.u32 $0x7, s5  }
0x29: {  	p2 =	sgt.s32 s9, $0x0;
	s6 =	smov.u32 s9;
	p4 =	sne.s32 s30, $0x0  }
0x2a: {  	s6 =	simm.s32 @!p2 $0x0;
	p0 =	por !p3, !p4  }
0x2b: {  	s10 =	simm.s32 $0xFFFFFFFF;
	s15 =	sand.u32 $0x7, s6;
	p0 =	por !p0, !p0  }
0x2c: {  	p5 =	slt.s32 s9, $0x1;
	p6 =	sne.s32 s15, $0x0;
	s10 =	simm.s32 @!p0 $0x0  }
0x2d: {  	p0 =	por !p5, !p6;
	s10 =	sshll.u32 s10, $0x3  }
0x2e: {  	s15 =	simm.s32 $0xFFFFFFFF;
	p0 =	por !p0, !p0;
	s5 =	sadd.s32 s5, s10  }
0x2f: {  	s17 =	simm.s32 $0x480;
	s15 =	simm.s32 @!p0 $0x0;
	s10 =	sand.u32 $0xFFFFFFF8, s5  }
0x30: {  	s16 =	spop (v2sf);
	s31 =	sshll.u32 s15, $0x3;
	p0 =	slt.s32 s10, $0xFB8  }
0x31: {  	s16 =	ssub.s32 s16, s3;
	s5 =	sadd.s32 s6, s31;
	s10 =	simm.s32 @!p0 $0xFB8  }
0x32: {  	p1 =	slt.s32 s16, $0x7E;
	s6 =	sand.u32 $0xFFFFFFF8, s5;
	s15 =	sshll.u32 s10, $0x4  }
0x33: {  	s16 =	simm.s32 @!p1 $0x7E;
	p0 =	slt.s32 s6, $0xFB8;
	s5 =	sadd.s32 s13, s15  }
0x34: {  	[tilespmem:s17], [sflag:$0x1] =	stream.linear.gather [hbm4b:s5+s2], $0x2400, $0x38;
	[tilespmem:$0xD380] =	vst v63  }
0x35: {  	v1 =	vlaneseq.u32;
	s6 =	simm.s32 @!p0 $0xFB8;
	s5 =	sadd.s32 $0x1, s16  }
0x36: {  	v3 =	vadd.s32 $0xFFFFFFFF, v1;
	s18 =	sshll.u32 s6, $0x4;
	v2 =	vmov s5  }
0x37: {  	s19 =	simm.s32 $0x6C80;
	v4 =	vadd.s32 $0xF, v1;
	s13 =	sadd.s32 s13, s18;
	vm0 =	vgt.s32 v2, v3  }
0x38: {  	v6 =	vadd.s32 $0x1F, v1;
	[tilespmem:s19], [sflag:$0x2] =	stream.linear.gather [hbm4b:s13+s2], $0x2400, $0x38;
	vm5 =	vgt.s32 v2, v4;
	v5 =	vsel vm0, $0x1, v0;
	[tilespmem:$0xD380] =	vst v63  }
0x39: {  	v7 =	vadd.s32 $0x2F, v1;
	vm6 =	vgt.s32 v2, v6;
	v49 =	vsel vm5, $0x1, v0;
	[tilespmem:$0xD280] =	vst v5  }
0x3a: {  	v8 =	vadd.s32 $0x3F, v1;
	vm7 =	vgt.s32 v2, v7;
	v50 =	vsel vm6, $0x1, v0;
	[tilespmem:$0xD290] =	vst v49  }
0x3b: {  	v9 =	vadd.s32 $0x4F, v1;
	vm8 =	vgt.s32 v2, v8;
	v51 =	vsel vm7, $0x1, v0;
	[tilespmem:$0xD2A0] =	vst v50  }
0x3c: {  	v10 =	vadd.s32 $0x5F, v1;
	vm9 =	vgt.s32 v2, v9;
	v52 =	vsel vm8, $0x1, v0;
	[tilespmem:$0xD2B0] =	vst v51  }
0x3d: {  	v11 =	vadd.s32 $0x6F, v1;
	vm10 =	vgt.s32 v2, v10;
	v53 =	vsel vm9, $0x1, v0;
	[tilespmem:$0xD2C0] =	vst v52  }
0x3e: {  	vm11 =	vgt.s32 v2, v11;
	v54 =	vsel vm10, $0x1, v0;
	[tilespmem:$0xD2D0] =	vst v53  }
0x3f: {  	v55 =	vsel vm11, $0x1, v0;
	[tilespmem:$0xD2E0] =	vst v54  }
0x40: {  	s20 =	simm.s32 $0xD280;
	s21 =	simm.s32 $0x3;
	s12 =	sadd.s32 s12, s8;
	[tilespmem:$0xD2F0] =	vst v55  }
0x41: {  	[hbm4b:s12+s2] =	stream.linear.scatter [tilespmem:s20], [sflag:$0x4], $0x80, $0x38;
	[tilespmem:$0xD380] =	vst v63  }
0x42: {  	_ =	swait.ge [sflag:s21], $0x88  }
0x43: {  	[sflag:s21] =	ssyncset.done $0x0  }
0x44: {  	s22 =	ssub.s32 s3, s14;
	[sflag:s21] =	ssyncadd.s32 $0xFFFFFF78  }
0x45: {  	v56 =	vld [tilespmem:s22+$0xD087];
	_ =	sdelay $0x2  }
0x46: {  	v12 =	vmov s16;
	vm12 =	veq.s32 v2, v1  }
0x47: {  	vm1 =	vgt.s32 v12, v3;
	v3 =	vsel vm12, $0x66, v0  }
0x48: {  	vm13 =	veq.s32 v1, $0x0;
	v3 =	vsel vm1, v56, v3  }
0x49: {  	v3 =	vsel vm13, $0x65, v3  }
0x4a: {  	[tilespmem:$0xD200] =	vst v3  }
0x4b: {  	v3 =	vld [tilespmem:s22+$0xD097];
	_ =	sdelay $0x1  }
0x4c: {  	v57 =	vor.u32 $0x10, v1  }
0x4d: {  	vm14 =	veq.s32 v2, v57  }
0x4e: {  	vm15 =	vgt.s32 v12, v4;
	v58 =	vsel vm14, $0x66, v0  }
0x4f: {  	v3 =	vsel vm15, v3, v58  }
0x50: {  	[tilespmem:$0xD210] =	vst v3  }
0x51: {  	v3 =	vld [tilespmem:s22+$0xD0A7];
	_ =	sdelay $0x1  }
0x52: {  	v59 =	vor.u32 $0x20, v1  }
0x53: {  	vm4 =	veq.s32 v2, v59  }
0x54: {  	vm5 =	vgt.s32 v12, v6;
	v4 =	vsel vm4, $0x66, v0  }
0x55: {  	v3 =	vsel vm5, v3, v4  }
0x56: {  	[tilespmem:$0xD220] =	vst v3  }
0x57: {  	v3 =	vld [tilespmem:s22+$0xD0B7];
	_ =	sdelay $0x1  }
0x58: {  	v60 =	vor.u32 $0x30, v1  }
0x59: {  	vm6 =	veq.s32 v2, v60  }
0x5a: {  	vm7 =	vgt.s32 v12, v7;
	v4 =	vsel vm6, $0x66, v0  }
0x5b: {  	v3 =	vsel vm7, v3, v4  }
0x5c: {  	[tilespmem:$0xD230] =	vst v3  }
0x5d: {  	v3 =	vld [tilespmem:s22+$0xD0C7];
	_ =	sdelay $0x1  }
0x5e: {  	v61 =	vor.u32 $0x40, v1  }
0x5f: {  	vm8 =	veq.s32 v2, v61  }
0x60: {  	vm9 =	vgt.s32 v12, v8;
	v4 =	vsel vm8, $0x66, v0  }
0x61: {  	v3 =	vsel vm9, v3, v4  }
0x62: {  	[tilespmem:$0xD240] =	vst v3  }
0x63: {  	v3 =	vld [tilespmem:s22+$0xD0D7];
	_ =	sdelay $0x1  }
0x64: {  	v62 =	vor.u32 $0x50, v1  }
0x65: {  	vm10 =	veq.s32 v2, v62  }
0x66: {  	vm11 =	vgt.s32 v12, v9;
	v4 =	vsel vm10, $0x66, v0  }
0x67: {  	v3 =	vsel vm11, v3, v4  }
0x68: {  	[tilespmem:$0xD250] =	vst v3  }
0x69: {  	v3 =	vld [tilespmem:s22+$0xD0E7];
	_ =	sdelay $0x1  }
0x6a: {  	v63 =	vor.u32 $0x60, v1  }
0x6b: {  	vm12 =	veq.s32 v2, v63  }
0x6c: {  	vm13 =	vgt.s32 v12, v10;
	v4 =	vsel vm12, $0x66, v0  }
0x6d: {  	v3 =	vsel vm13, v3, v4  }
0x6e: {  	[tilespmem:$0xD260] =	vst v3  }
0x6f: {  	v3 =	vld [tilespmem:s22+$0xD0F7];
	_ =	sdelay $0x1  }
0x70: {  	v1 =	vor.u32 $0x70, v1  }
0x71: {  	vm14 =	veq.s32 v2, v1  }
0x72: {  	vm15 =	vgt.s32 v12, v11;
	v0 =	vsel vm14, $0x66, v0  }
0x73: {  	s23 =	simm.s32 $0x1;
	s24 =	ssub.s32 s11, s10;
	v0 =	vsel vm15, v3, v0  }
0x74: {  	s7 =	sadd.s32 s7, s8;
	s25 =	simm.s32 $0xD200;
	s26 =	sadd.s32 $0x8, s24;
	[tilespmem:$0xD270] =	vst v0  }
0x75: {  	[hbm4b:s7+s2] =	stream.linear.scatter [tilespmem:s25], [sflag:$0x4], $0x80, $0x38;
	[tilespmem:$0xD380] =	vst v63  }
0x76: {  	s28 =	sshll.u32 s26, $0x9;
	_ =	swait.ge [sflag:s23], $0x2400  }
0x77: {  	s29 =	sshra.s32 s28, $0x2;
	[sflag:s23] =	ssyncset.done $0x0  }
0x78: {  	p0 =	slt.s32 s5, $0x40;
	s11 =	smov.u32 s5;
	v0 =	vimm.f32 $0.0e+00;
	[sflag:s23] =	ssyncadd.s32 $0xFFFFDC00  }
0x79: {  	s11 =	simm.s32 @!p0 $0x40;
	[tilespmem:s29+$0x80] =	vst v0  }
0x7a: {  	s30 =	sadd.s32 $0x48, s24;
	s7 =	sadd.s32 s11, s26;
	[tilespmem:s29+$0x90] =	vst v0  }
0x7b: {  	p0 =	sge.s32 s7, s30;
	[tilespmem:s29+$0xA0] =	vst v0  }
.Ltmp0:
0x7c: {  	[tilespmem:s29+$0xB0] =	vst v0;
	(pc) =	sbr.rel @p0 .LBB2_4-.Ltmp0, $4  }
0x7d: {  	[tilespmem:s29+$0xC0] =	vst v0  }
0x7e: {  	[tilespmem:s29+$0xD0] =	vst v0  }
0x7f: {  	s31 =	sshll.u32 s1, $0xB;
	[tilespmem:s29+$0xE0] =	vst v0  }
0x80: {  	s8 =	sadd.s32 $0x80, s29;
	s7 =	sadd.s32 s4, s31;
	s4 =	ssub.s32 s9, s6;
	[tilespmem:s29+$0xF0] =	vst v0  }
0x81: {  	s9 =	sadd.s32 s11, s3  }
0x82: {  	s10 =	sshll.u32 s10, $0x9;
	s9 =	sshll.u32 s9, $0x9  }
0x83: {  	s9 =	ssub.s32 s9, s10  }
0x84: {  	s9 =	sadd.s32 $0xFC0, s9  }
0x85: {  	s9 =	sshra.s32 s9, $0x2  }
0x86: {  	s9 =	sadd.s32 $0x80, s9  }
0x87: {  	s31 =	ssub.s32 $0x40, s11;
	[tilespmem:s9+$0xFFFFFF90] =	vst v0  }
0x88: {  	p0 =	sne.s32 s31, $0x1;
	[tilespmem:s9+$0x0] =	vst v0  }
.Ltmp1:
0x89: {  	[tilespmem:s9+$0xFFFFFFF0] =	vst v0;
	(pc) =	sbr.rel @!p0 .LBB2_3-.Ltmp1, $4  }
0x8a: {  	[tilespmem:s9+$0xFFFFFFE0] =	vst v0  }
0x8b: {  	[tilespmem:s9+$0xFFFFFFD0] =	vst v0  }
0x8c: {  	[tilespmem:s9+$0xFFFFFFC0] =	vst v0  }
0x8d: {  	s10 =	sadd.s32 $0xFFFFFFFF, s31;
	[tilespmem:s9+$0xFFFFFFB0] =	vst v0  }
.LBB2_2:
0x8e: {  	p0 =	sne.s32 s10, $0x1;
	s10 =	sadd.s32 $0xFFFFFFFF, s10;
	[tilespmem:s9+$0xFFFFFFA0] =	vst v0;
	s9 =	sadd.s32 $0x80, s9  }
0x8f: {  	[tilespmem:s9+$0xFFFFFF90] =	vst v0  }
0x90: {  	[tilespmem:s9+$0x0] =	vst v0  }
.Ltmp2:
0x91: {  	[tilespmem:s9+$0xFFFFFFF0] =	vst v0;
	(pc) =	sbr.rel @p0 .LBB2_2-.Ltmp2, $4  }
0x92: {  	[tilespmem:s9+$0xFFFFFFE0] =	vst v0  }
0x93: {  	[tilespmem:s9+$0xFFFFFFD0] =	vst v0  }
0x94: {  	[tilespmem:s9+$0xFFFFFFC0] =	vst v0  }
0x95: {  	[tilespmem:s9+$0xFFFFFFB0] =	vst v0  }
.LBB2_3:
0x96: {  	[tilespmem:s9+$0xFFFFFFA0] =	vst v0  }
.LBB2_4:
0x97: {  	[hbm4b:s7+s2] =	stream.linear.scatter [tilespmem:s8], [sflag:$0x4], $0x2000, $0x38;
	[tilespmem:$0xD380] =	vst v63  }
0x98: {  	p0 =	sgt.s32 s5, $0x40  }
0x99: {  	s5 =	simm.s32 @!p0 $0x40  }
0x9a: {  	s31 =	sadd.s32 s4, s5  }
0x9b: {  	s9 =	sadd.s32 $0x48, s4;
	s2 =	sadd.s32 $0xFFFFFFC8, s31  }
0x9c: {  	p0 =	sge.s32 s2, s9  }
.Ltmp3:
0x9d: {  	_ = 	snop;
	(pc) =	sbr.rel @p0 .LBB2_8-.Ltmp3, $4  }
0x9e: {  	s30 =	simm.s32 $0x2  }
0x9f: {  	_ =	swait.ge [sflag:s30], $0x2400  }
0xa0: {  	[sflag:s30] =	ssyncset.done $0x0  }
0xa1: {  	[sflag:s30] =	ssyncadd.s32 $0xFFFFDC00;
	s2 =	sadd.s32 $0x400, s7  }
0xa2: {  	s3 =	sadd.s32 s5, s3  }
0xa3: {  	s6 =	sshll.u32 s6, $0x9;
	s3 =	sshll.u32 s3, $0x9  }
0xa4: {  	s3 =	ssub.s32 s3, s6  }
0xa5: {  	s3 =	sadd.s32 $0xFC0, s3  }
0xa6: {  	s3 =	sshra.s32 s3, $0x2  }
0xa7: {  	v0 =	vimm.f32 $0.0e+00;
	s3 =	sadd.s32 $0x6880, s3  }
0xa8: {  	s31 =	ssub.s32 $0x80, s5;
	[tilespmem:s3+$0xFFFFFF90] =	vst v0  }
0xa9: {  	p0 =	sne.s32 s31, $0x1;
	[tilespmem:s3+$0x0] =	vst v0  }
.Ltmp4:
0xaa: {  	[tilespmem:s3+$0xFFFFFFF0] =	vst v0;
	(pc) =	sbr.rel @!p0 .LBB2_7-.Ltmp4, $4  }
0xab: {  	[tilespmem:s3+$0xFFFFFFE0] =	vst v0  }
0xac: {  	[tilespmem:s3+$0xFFFFFFD0] =	vst v0  }
0xad: {  	[tilespmem:s3+$0xFFFFFFC0] =	vst v0  }
0xae: {  	s5 =	sadd.s32 $0xFFFFFFFF, s31;
	[tilespmem:s3+$0xFFFFFFB0] =	vst v0  }
.LBB2_6:
0xaf: {  	p0 =	sne.s32 s5, $0x1;
	s5 =	sadd.s32 $0xFFFFFFFF, s5;
	[tilespmem:s3+$0xFFFFFFA0] =	vst v0;
	s3 =	sadd.s32 $0x80, s3  }
0xb0: {  	[tilespmem:s3+$0xFFFFFF90] =	vst v0  }
0xb1: {  	[tilespmem:s3+$0x0] =	vst v0  }
.Ltmp5:
0xb2: {  	[tilespmem:s3+$0xFFFFFFF0] =	vst v0;
	(pc) =	sbr.rel @p0 .LBB2_6-.Ltmp5, $4  }
0xb3: {  	[tilespmem:s3+$0xFFFFFFE0] =	vst v0  }
0xb4: {  	[tilespmem:s3+$0xFFFFFFD0] =	vst v0  }
0xb5: {  	[tilespmem:s3+$0xFFFFFFC0] =	vst v0  }
0xb6: {  	[tilespmem:s3+$0xFFFFFFB0] =	vst v0  }
.LBB2_7:
0xb7: {  	[tilespmem:s3+$0xFFFFFFA0] =	vst v0  }
.LBB2_8:
0xb8: {  	s3 =	sshll.u32 s4, $0x9  }
0xb9: {  	s3 =	sshra.s32 s3, $0x2  }
0xba: {  	s30 =	simm.s32 $0x0;
	s31 =	simm.s32 $0x4;
	s3 =	sadd.s32 $0x6C80, s3  }
0xbb: {  	[hbm4b:s2+s30] =	stream.linear.scatter [tilespmem:s3], [sflag:$0x4], $0x2000, $0x38;
	[tilespmem:$0xD380] =	vst v63  }
0xbc: {  	_ =	swait.ge [sflag:s31], $0x80  }
0xbd: {  	[sflag:s31] =	ssyncset.done $0x0  }
0xbe: {  	[sflag:s31] =	ssyncadd.s32 $0xFFFFFF80  }
0xbf: {  	_ =	swait.ge [sflag:s31], $0x80  }
0xc0: {  	[sflag:s31] =	ssyncset.done $0x0  }
0xc1: {  	[sflag:s31] =	ssyncadd.s32 $0xFFFFFF80  }
0xc2: {  	_ =	swait.ge [sflag:s31], $0x80  }
0xc3: {  	[sflag:s31] =	ssyncset.done $0x0  }
0xc4: {  	[sflag:s31] =	ssyncadd.s32 $0xFFFFFF80  }
0xc5: {  	_ =	swait.ge [sflag:s31], $0x2000  }
0xc6: {  	[sflag:s31] =	ssyncset.done $0x0  }
0xc7: {  	[sflag:s31] =	ssyncadd.s32 $0xFFFFE000  }
0xc8: {  	_ =	swait.ge [sflag:s31], $0x2000  }
0xc9: {  	[sflag:s31] =	ssyncset.done $0x0  }
0xca: {  	[sflag:s31] =	ssyncadd.s32 $0xFFFFE000  }
0xcb: {  	_ =	sfence.sel $0x180000  }
0xcc: {  	[bflag:$0x0] =	sbarrier.arrive $0xFFFF  }
0xcd: {  	p0 =	sne.s32 s1, $0x0;
	_ =	strace $0x90000047  }
0xce: {  	s0 =	sadd.s32 @!p0 $0x100000, s0;
	[bflag:$0x2] =	sbarrier.arrive $0xFFFF  }
0xcf: {  	[sflag:s0] =	ssyncadd.tile.s32 @!p0 $0x1;
	_ =	shalt  }
.Lfunc_end2:
_tile_overlayer_lowered:
.L_overlay_start_2:
0xd0: {  	(tag) =	ssettag $0x2  }
0xd1: {  	s0 =	rddreg [dreg:$0x0];
	s2 =	stileid.u32  }
0xd2: {  	s1 =	rddreg [dreg:$0x1];
	p0 =	sne.s32 s2, $0x0  }
0xd3: {  	s3 =	rddreg [dreg:$0x2];
	[bflag:$0x3] =	sbarrier.arrive $0xFFFF;
	s2 =	simm.s32 @!p0 $0x1C06  }
0xd4: {  	[timem:s3], [sflag:s2] =	dma.local @!p0 [hbm:s0], s1  }
0xd5: {  	s0 =	simm.s32 @!p0 $0x6  }
0xd6: {  	_ =	swait.ge @!p0 [sflag:s0], s1  }
0xd7: {  	s1 =	ssub.s32 @!p0 $0x0, s1;
	[sflag:s0] =	ssyncset.done @!p0 $0x0  }
0xd8: {  	[sflag:s0] =	ssyncadd.s32 @!p0 s1  }
0xd9: {  	[bflag:$0x3] =	sbarrier.arrive $0xFFFF  }
0xda: {  	_ =	shalt  }

</sc_bundles>
